<compile_context>
chip_gen: v7x
topology: tpu7x:2x2x1
jax: 0.10.2.dev20260603
libtpu: 0.0.44.dev20260713+nightly
codegen_flags: <defaults>
</compile_context>

<pallas_src>
import functools

import jax
import jax.numpy as jnp
from jax import lax
from jax.experimental import pallas as pl
from jax.experimental.pallas import tpu as pltpu
from jax.experimental.pallas import tpu_sc as plsc

N_NODES = 100000
N_EDGES = 6400000
NC = 2
NS = 16
L = 16
N_PAD = 100096
RPT = N_PAD // NS
CHUNK = 4000
EDGES_PER_TILE = N_EDGES // (NC * NS)
CHUNKS = EDGES_PER_TILE // CHUNK
GROUPS = CHUNK // L


def _sc_edge_pass(edge_src, edge_dst, edge_g, edge_b, pred_e, pred_f,
                  zeros_tile, probe, params):
    mesh = plsc.VectorSubcoreMesh(
        core_axis_name="c", subcore_axis_name="s", num_cores=NC, num_subcores=NS
    )
    acc_ty = jax.ShapeDtypeStruct((NC * N_PAD,), jnp.float32)

    def buf(shape, dtype=jnp.float32):
        return pltpu.VMEM(shape, dtype)

    scratch = dict(
        stage_v=buf((RPT,)),
        flag_v=buf((L,), jnp.int32),
        probe_v=buf((2, L), jnp.int32),
        par_v=buf((4, L)),
        table_e=pltpu.VMEM_SHARED((N_PAD,), jnp.float32),
        table_f=pltpu.VMEM_SHARED((N_PAD,), jnp.float32),
        accfP=pltpu.VMEM_SHARED((N_PAD,), jnp.float32),
        accfQ=pltpu.VMEM_SHARED((N_PAD,), jnp.float32),
        accrP=pltpu.VMEM_SHARED((N_PAD,), jnp.float32),
        accrQ=pltpu.VMEM_SHARED((N_PAD,), jnp.float32),
        mfP_v=buf((CHUNK,)),
        mfQ_v=buf((CHUNK,)),
        mrP_v=buf((CHUNK,)),
        mrQ_v=buf((CHUNK,)),
        ssem0=pltpu.SemaphoreType.DMA,
        ssem1=pltpu.SemaphoreType.DMA,
        ssem2=pltpu.SemaphoreType.DMA,
        ssem3=pltpu.SemaphoreType.DMA,
    )
    for b in (0, 1):
        scratch.update({
            f"src_v{b}": buf((CHUNK,), jnp.int32),
            f"dst_v{b}": buf((CHUNK,), jnp.int32),
            f"gv_v{b}": buf((CHUNK,)),
            f"bv_v{b}": buf((CHUNK,)),
            f"es_v{b}": buf((CHUNK,)),
            f"fs_v{b}": buf((CHUNK,)),
            f"ed_v{b}": buf((CHUNK,)),
            f"fd_v{b}": buf((CHUNK,)),
            f"insem{b}": pltpu.SemaphoreType.DMA,
            f"gsem0{b}": pltpu.SemaphoreType.DMA,
            f"gsem1{b}": pltpu.SemaphoreType.DMA,
            f"gsem2{b}": pltpu.SemaphoreType.DMA,
            f"gsem3{b}": pltpu.SemaphoreType.DMA,
        })

    @functools.partial(
        pl.kernel,
        mesh=mesh,
        compiler_params=pltpu.CompilerParams(needs_layout_passes=False),
        out_type=(acc_ty, acc_ty, acc_ty, acc_ty,
                  jax.ShapeDtypeStruct((NC * NS * L,), jnp.int32)),
        scratch_types=scratch,
    )
    def body(es_hbm, ed_hbm, eg_hbm, eb_hbm, pe_hbm, pf_hbm, z_hbm, probe_hbm, par_hbm,
             outfP_hbm, outfQ_hbm, outrP_hbm, outrQ_hbm, flags_hbm,
             **refs):
        c = lax.axis_index("c")
        s = lax.axis_index("s")
        row0 = s * RPT
        stage_v = refs["stage_v"]
        flag_v = refs["flag_v"]
        probe_v = refs["probe_v"]
        par_v = refs["par_v"]
        table_e = refs["table_e"]
        table_f = refs["table_f"]
        accs = (refs["accfP"], refs["accfQ"], refs["accrP"], refs["accrQ"])
        msgs = (refs["mfP_v"], refs["mfQ_v"], refs["mrP_v"], refs["mrQ_v"])
        ssems = (refs["ssem0"], refs["ssem1"], refs["ssem2"], refs["ssem3"])
        ins = [(refs[f"src_v{b}"], refs[f"dst_v{b}"], refs[f"gv_v{b}"],
                refs[f"bv_v{b}"], refs[f"insem{b}"]) for b in (0, 1)]
        gbufs = [(refs[f"es_v{b}"], refs[f"fs_v{b}"], refs[f"ed_v{b}"],
                  refs[f"fd_v{b}"],
                  (refs[f"gsem0{b}"], refs[f"gsem1{b}"],
                   refs[f"gsem2{b}"], refs[f"gsem3{b}"])) for b in (0, 1)]

        pltpu.sync_copy(pe_hbm.at[pl.ds(row0, RPT)], stage_v)
        pltpu.sync_copy(stage_v, table_e.at[pl.ds(row0, RPT)])
        pltpu.sync_copy(pf_hbm.at[pl.ds(row0, RPT)], stage_v)
        pltpu.sync_copy(stage_v, table_f.at[pl.ds(row0, RPT)])
        pltpu.sync_copy(z_hbm, stage_v)
        for acc in accs:
            pltpu.sync_copy(stage_v, acc.at[pl.ds(row0, RPT)])
        pltpu.sync_copy(probe_hbm, probe_v)
        pltpu.sync_copy(par_hbm, par_v)
        flag_v[...] = jnp.zeros((L,), jnp.int32)
        plsc.subcore_barrier()

        src0 = probe_v[0, :]
        dst0 = probe_v[1, :]
        esg = par_v[0, :]
        esb = par_v[1, :]
        emg = par_v[2, :]
        emb = par_v[3, :]
        tile_base = (c * NS + s) * EDGES_PER_TILE

        def issue_in(t, b):
            base = tile_base + t * CHUNK
            src_v, dst_v, gv_v, bv_v, insem = ins[b]
            pltpu.async_copy(es_hbm.at[pl.ds(base, CHUNK)], src_v, insem)
            pltpu.async_copy(ed_hbm.at[pl.ds(base, CHUNK)], dst_v, insem)
            pltpu.async_copy(eg_hbm.at[pl.ds(base, CHUNK)], gv_v, insem)
            pltpu.async_copy(eb_hbm.at[pl.ds(base, CHUNK)], bv_v, insem)

        def wait_in(t, b):
            base = tile_base + t * CHUNK
            src_v, dst_v, gv_v, bv_v, insem = ins[b]
            pltpu.make_async_copy(es_hbm.at[pl.ds(base, CHUNK)], src_v, insem).wait()
            pltpu.make_async_copy(ed_hbm.at[pl.ds(base, CHUNK)], dst_v, insem).wait()
            pltpu.make_async_copy(eg_hbm.at[pl.ds(base, CHUNK)], gv_v, insem).wait()
            pltpu.make_async_copy(eb_hbm.at[pl.ds(base, CHUNK)], bv_v, insem).wait()

        def issue_gathers(b):
            src_v, dst_v, _, _, _ = ins[b]
            es_v, fs_v, ed_v, fd_v, gsems = gbufs[b]
            pltpu.async_copy(table_e.at[src_v], es_v, gsems[0])
            pltpu.async_copy(table_f.at[src_v], fs_v, gsems[1])
            pltpu.async_copy(table_e.at[dst_v], ed_v, gsems[2])
            pltpu.async_copy(table_f.at[dst_v], fd_v, gsems[3])

        def wait_gathers(b):
            src_v, dst_v, _, _, _ = ins[b]
            es_v, fs_v, ed_v, fd_v, gsems = gbufs[b]
            pltpu.make_async_copy(table_e.at[src_v], es_v, gsems[0]).wait()
            pltpu.make_async_copy(table_f.at[src_v], fs_v, gsems[1]).wait()
            pltpu.make_async_copy(table_e.at[dst_v], ed_v, gsems[2]).wait()
            pltpu.make_async_copy(table_f.at[dst_v], fd_v, gsems[3]).wait()

        def compute(b):
            src_v, dst_v, gv_v, bv_v, _ = ins[b]
            es_v, fs_v, ed_v, fd_v, _ = gbufs[b]
            mfP_v, mfQ_v, mrP_v, mrQ_v = msgs

            def group_body(g, _):
                sl = pl.ds(g * L, L)
                srcv = src_v[sl]
                dstv = dst_v[sl]
                e_i = es_v[sl]
                f_i = fs_v[sl]
                e_j = ed_v[sl]
                f_j = fd_v[sl]
                g_ij = gv_v[sl] * esg + emg
                b_ij = bv_v[sl] * esb + emb
                term1 = e_i * e_j + f_i * f_j
                term2 = f_i * e_j - e_i * f_j
                vt_f = (e_i * e_i + f_i * f_i) - term1
                vt_r = (e_j * e_j + f_j * f_j) - term1
                gt2 = g_ij * term2
                bt2 = b_ij * term2
                mfP_v[sl] = g_ij * vt_f - bt2
                mfQ_v[sl] = -(b_ij * vt_f) - gt2
                mrP_v[sl] = g_ij * vt_r + bt2
                mrQ_v[sl] = -(b_ij * vt_r) + gt2
                m = (srcv == dst0) & (dstv == src0)
                flag_v[...] = flag_v[...] | m.astype(jnp.int32)
                return 0

            lax.fori_loop(0, GROUPS, group_body, 0, unroll=False)

        def scatter(b):
            src_v, dst_v, _, _, _ = ins[b]
            idxs = (src_v, src_v, dst_v, dst_v)
            descs = [pltpu.async_copy(m, a.at[i], sm, add=True)
                     for m, a, i, sm in zip(msgs, accs, idxs, ssems)]
            for d in descs:
                d.wait()

        issue_in(0, 0)
        issue_in(1, 1)
        wait_in(0, 0)
        issue_gathers(0)

        def outer(o, carry):
            for b in (0, 1):
                t = o * 2 + b
                nb = 1 - b
                wait_gathers(b)
                compute(b)

                @pl.when(t + 1 < CHUNKS)
                def _():
                    wait_in(t + 1, nb)
                    issue_gathers(nb)

                scatter(b)

                @pl.when(t + 2 < CHUNKS)
                def _():
                    issue_in(t + 2, b)
            return carry

        lax.fori_loop(0, CHUNKS // 2, outer, 0, unroll=False)
        plsc.subcore_barrier()

        out0 = c * N_PAD + row0
        for acc, out in zip(accs, (outfP_hbm, outfQ_hbm, outrP_hbm, outrQ_hbm)):
            pltpu.sync_copy(acc.at[pl.ds(row0, RPT)], stage_v)
            pltpu.sync_copy(stage_v, out.at[pl.ds(out0, RPT)])
        pltpu.sync_copy(flag_v, flags_hbm.at[pl.ds((c * NS + s) * L, L)])

    return body(edge_src, edge_dst, edge_g, edge_b, pred_e, pred_f,
                zeros_tile, probe, params)


def _tc_losses(planes, xymean, xystd):

    def body(pe_e, pe_f, ty_p, ty_q, ty_e, ty_f, mk_e, mk_f,
             af0P, af0Q, af1P, af1Q, ar0P, ar0Q, ar1P, ar1Q, bt, tvm,
             xym, xys,
             mse_num, mse_den, a_out, b_out, pv_num, pv_den):
        xys_v = xys[...]
        xym_v = xym[...]
        mk_e_v = mk_e[...]
        mk_f_v = mk_f[...]
        sq = (pe_e[...] - ty_e[...]) ** 2 * mk_e_v + (pe_f[...] - ty_f[...]) ** 2 * mk_f_v
        mse_num[...] = jnp.sum(sq).reshape(1, 1)
        mse_den[...] = (jnp.sum(mk_e_v) + jnp.sum(mk_f_v)).reshape(1, 1)

        u_p = ty_p[...] * (xys_v[0:1, 0:1] + 1e-7) + xym_v[0:1, 0:1] + af0P[...] + af1P[...]
        u_q = ty_q[...] * (xys_v[0:1, 1:2] + 1e-7) + xym_v[0:1, 1:2] + af0Q[...] + af1Q[...]
        v_p = ar0P[...] + ar1P[...]
        v_q = ar0Q[...] + ar1Q[...]
        a_out[...] = (jnp.sum(u_p * u_p) + jnp.sum(u_q * u_q)).reshape(1, 1)
        b_out[...] = (2.0 * (jnp.sum(u_p * v_p) + jnp.sum(u_q * v_q))
                      + jnp.sum(v_p * v_p) + jnp.sum(v_q * v_q)).reshape(1, 1)

        er = pe_e[...] * (xys_v[0:1, 2:3] + 1e-7) + xym_v[0:1, 2:3]
        fr = pe_f[...] * (xys_v[0:1, 3:4] + 1e-7) + xym_v[0:1, 3:4]
        vm_sq = er * er + fr * fr
        tv = tvm[...]
        ispv = (bt[...] == 1).astype(jnp.float32)
        pv_num[...] = jnp.sum(jnp.abs(vm_sq - tv * tv) * ispv).reshape(1, 1)
        pv_den[...] = jnp.sum(ispv).reshape(1, 1)

    scalar = jax.ShapeDtypeStruct((1, 1), jnp.float32)
    return pl.pallas_call(
        body,
        out_shape=(scalar,) * 6,
    )(*planes, xymean, xystd)


def kernel(pred_ef, target_y, mask, edge_index, edge_attr, bus_type, target_vm,
           xymean, xystd, edgemean, edgestd):
    pred_e = jnp.pad(pred_ef[:, 0], (0, N_PAD - N_NODES))
    pred_f = jnp.pad(pred_ef[:, 1], (0, N_PAD - N_NODES))
    zeros_tile = jnp.zeros((RPT,), jnp.float32)
    probe = jnp.broadcast_to(edge_index[:, 0:1], (2, L)).astype(jnp.int32)
    params = jnp.broadcast_to(
        jnp.stack([edgestd[0, 0] + 1e-7, edgestd[0, 1] + 1e-7,
                   edgemean[0, 0], edgemean[0, 1]])[:, None], (4, L))

    accfP, accfQ, accrP, accrQ, flags = _sc_edge_pass(
        edge_index[0].astype(jnp.int32), edge_index[1].astype(jnp.int32),
        edge_attr[:, 0], edge_attr[:, 1], pred_e, pred_f, zeros_tile, probe,
        params)

    def plane(x):
        return x.reshape(80, 1250)

    def halves(acc):
        return plane(acc[:N_NODES]), plane(acc[N_PAD:N_PAD + N_NODES])

    af0P, af1P = halves(accfP)
    af0Q, af1Q = halves(accfQ)
    ar0P, ar1P = halves(accrP)
    ar0Q, ar1Q = halves(accrQ)

    planes = (
        plane(pred_ef[:, 0]), plane(pred_ef[:, 1]),
        plane(target_y[:, 0]), plane(target_y[:, 1]),
        plane(target_y[:, 2]), plane(target_y[:, 3]),
        plane(mask[:, 2]), plane(mask[:, 3]),
        af0P, af0Q, af1P, af1Q, ar0P, ar0Q, ar1P, ar1Q,
        plane(bus_type.astype(jnp.int32)), plane(target_vm),
    )
    mse_num, mse_den, a_sum, b_sum, pv_num, pv_den = _tc_losses(
        planes, xymean, xystd)

    has_rev = jnp.any(flags != 0)
    w_rev = jnp.where(has_rev, 1.0, 0.0).astype(jnp.float32)

    loss_mse = mse_num[0, 0] / (mse_den[0, 0] + 1e-6)
    loss_phys = (a_sum[0, 0] + (1.0 - w_rev) * b_sum[0, 0]) / jnp.float32(N_NODES * 2)
    n_pv = pv_den[0, 0]
    loss_pv = jnp.where(n_pv > 0,
                        pv_num[0, 0] / jnp.maximum(n_pv, 1.0),
                        jnp.float32(0.0))
    total = 0.8 * loss_mse + 0.2 * loss_phys + 0.1 * loss_pv
    return (total, loss_mse, loss_phys, loss_pv)

# --- scband reference (transcript-rebuilt; emitter-appended) ---
"""Pipeline reference for scband-rectangular-mixed-loss-88115549044894 (READ-ONLY COPY).

The authoritative reference and input builder live on the scoring server;
editing this copy changes nothing except your own understanding.
"""

import jax, jax.numpy as jnp
import numpy as np

N_NODES = 100000
N_EDGES = 6400000


def setup_inputs(seed: int = 0) -> dict:
    key = jax.random.key(seed)
    ks = jax.random.split(key, 7)
    pred_ef = jax.random.normal(ks[0], (N_NODES, 2), dtype=jnp.float32)
    target_y = jax.random.normal(ks[1], (N_NODES, 4), dtype=jnp.float32)
    mask = (jax.random.uniform(ks[2], (N_NODES, 4)) > 0.5).astype(jnp.float32)
    edge_index = jax.random.randint(ks[3], (2, N_EDGES), 0, N_NODES)
    edge_attr = jax.random.normal(ks[4], (N_EDGES, 2), dtype=jnp.float32)
    bus_type = jax.random.randint(ks[5], (N_NODES,), 0, 4)
    target_vm = jax.random.uniform(ks[6], (N_NODES,), minval=0.9, maxval=1.1, dtype=jnp.float32)
    xymean = jnp.zeros((1, 4), dtype=jnp.float32)
    xystd = jnp.ones((1, 4), dtype=jnp.float32)
    edgemean = jnp.zeros((1, 2), dtype=jnp.float32)
    edgestd = jnp.ones((1, 2), dtype=jnp.float32)
    return {"pred_ef": pred_ef, "target_y": target_y, "mask": mask,
            "edge_index": edge_index, "edge_attr": edge_attr,
            "bus_type": bus_type, "target_vm": target_vm,
            "xymean": xymean, "xystd": xystd,
            "edgemean": edgemean, "edgestd": edgestd}


def reference(pred_ef, target_y, mask, edge_index, edge_attr, bus_type, target_vm,
              xymean, xystd, edgemean, edgestd):
    alpha, beta, gamma = 0.8, 0.2, 0.1
    # --- RectangularPureMSELoss ---
    target_ef = target_y[:, 2:]
    mask_ef = mask[:, 2:]
    squared_diff = (pred_ef - target_ef) ** 2
    loss_mse = (squared_diff * mask_ef).sum() / (mask_ef.sum() + 1e-06)
    # --- RectangularPowerImbalance ---
    pq_mean = xymean[:, :2]
    pq_std = xystd[:, :2]
    input_pq = target_y[:, :2]
    real_pq = input_pq * (pq_std + 1e-07) + pq_mean
    real_edge = edge_attr * (edgestd + 1e-07) + edgemean
    ei = edge_index
    if ei.shape[1] > 0:
        # check if reverse of edge 0 exists; if not, symmetrize edges (torch semantics)
        sel = jnp.where(ei[0, :] == ei[1, 0], ei[1, :], -1)
        has_rev = jnp.any(sel == ei[0, 0])
        n_orig = ei.shape[1]
        num_segments = pred_ef.shape[0]
        ei = jnp.concatenate([ei, jnp.stack([ei[1], ei[0]], axis=0)], axis=1)
        real_edge = jnp.concatenate([real_edge, real_edge], axis=0)
        # flow='target_to_source': i = edge_index[0], j = edge_index[1], aggregate at i
        src = ei[0]
        dst = ei[1]
        x_i = jnp.take(pred_ef, src, axis=0)
        x_j = jnp.take(pred_ef, dst, axis=0)
        e_i, f_i = x_i[:, 0:1], x_i[:, 1:2]
        e_j, f_j = x_j[:, 0:1], x_j[:, 1:2]
        g_ij, b_ij = real_edge[:, 0:1], real_edge[:, 1:2]
        term1 = e_i * e_j + f_i * f_j
        term2 = f_i * e_j - e_i * f_j
        v_sq = e_i ** 2 + f_i ** 2
        P_flow = g_ij * (v_sq - term1) - b_ij * term2
        Q_flow = -b_ij * (v_sq - term1) - g_ij * term2
        msg = jnp.concatenate([P_flow, Q_flow], axis=-1)
        is_appended = jnp.concatenate([jnp.zeros((n_orig,), dtype=bool),
                                       jnp.ones((n_orig,), dtype=bool)], axis=0)
        seg_ids = jnp.where(has_rev & is_appended, num_segments, src)
        calc_pq_flow = jax.ops.segment_sum(msg, seg_ids, num_segments=num_segments)
    else:
        calc_pq_flow = jnp.zeros_like(real_pq)
    diff = real_pq + calc_pq_flow
    loss_phys = jnp.mean(diff ** 2)
    # --- PV voltage magnitude loss ---
    ef_mean = xymean[:, 2:]
    ef_std = xystd[:, 2:]
    ef_real = pred_ef * (ef_std + 1e-07) + ef_mean
    vm_sq_pred = ef_real[:, 0] ** 2 + ef_real[:, 1] ** 2
    vm_sq_target = target_vm ** 2
    is_pv = (bus_type == 1).astype(jnp.float32)
    n_pv = is_pv.sum()
    loss_pv = jnp.where(n_pv > 0,
                        (jnp.abs(vm_sq_pred - vm_sq_target) * is_pv).sum() / jnp.maximum(n_pv, 1.0),
                        jnp.float32(0.0))
    total_loss = alpha * loss_mse + beta * loss_phys + gamma * loss_pv
    return (total_loss, loss_mse, loss_phys, loss_pv)

if __name__ == "__main__":
    import jax
    _d = setup_inputs()
    print(jax.jit(kernel)(*tuple(_d.values())))

</pallas_src>

<mosaic_0001>
#map = affine_map<(d0, d1) -> (0)>
#map1 = affine_map<(d0, d1) -> (0, 0)>
module attributes {stable_mosaic.version = 14 : i64} {
  func.func @body(%arg0: i32, %arg1: i32, %arg2: memref<6400000xi32, #tpu.memory_space<hbm>>, %arg3: memref<6400000xi32, #tpu.memory_space<hbm>>, %arg4: memref<6400000xf32, #tpu.memory_space<hbm>>, %arg5: memref<6400000xf32, #tpu.memory_space<hbm>>, %arg6: memref<100096xf32, #tpu.memory_space<hbm>>, %arg7: memref<100096xf32, #tpu.memory_space<hbm>>, %arg8: memref<6256xf32, #tpu.memory_space<hbm>>, %arg9: memref<2x16xi32, #tpu.memory_space<hbm>>, %arg10: memref<4x16xf32, #tpu.memory_space<hbm>>, %arg11: memref<200192xf32, #tpu.memory_space<hbm>>, %arg12: memref<200192xf32, #tpu.memory_space<hbm>>, %arg13: memref<200192xf32, #tpu.memory_space<hbm>>, %arg14: memref<200192xf32, #tpu.memory_space<hbm>>, %arg15: memref<512xi32, #tpu.memory_space<hbm>>, %arg16: memref<100096xf32, #tpu.memory_space<vmem_shared>>, %arg17: memref<100096xf32, #tpu.memory_space<vmem_shared>>, %arg18: memref<100096xf32, #tpu.memory_space<vmem_shared>>, %arg19: memref<100096xf32, #tpu.memory_space<vmem_shared>>, %arg20: memref<4000xf32, #tpu.memory_space<vmem>>, %arg21: memref<4000xf32, #tpu.memory_space<vmem>>, %arg22: memref<4000xi32, #tpu.memory_space<vmem>>, %arg23: memref<4000xi32, #tpu.memory_space<vmem>>, %arg24: memref<4000xf32, #tpu.memory_space<vmem>>, %arg25: memref<4000xf32, #tpu.memory_space<vmem>>, %arg26: memref<4000xf32, #tpu.memory_space<vmem>>, %arg27: memref<4000xf32, #tpu.memory_space<vmem>>, %arg28: memref<4000xf32, #tpu.memory_space<vmem>>, %arg29: memref<4000xf32, #tpu.memory_space<vmem>>, %arg30: memref<16xi32, #tpu.memory_space<vmem>>, %arg31: memref<4000xf32, #tpu.memory_space<vmem>>, %arg32: memref<4000xf32, #tpu.memory_space<vmem>>, %arg33: memref<!tpu.dma_semaphore, #tpu.memory_space<semaphore_mem>>, %arg34: memref<!tpu.dma_semaphore, #tpu.memory_space<semaphore_mem>>, %arg35: memref<!tpu.dma_semaphore, #tpu.memory_space<semaphore_mem>>, %arg36: memref<!tpu.dma_semaphore, #tpu.memory_space<semaphore_mem>>, %arg37: memref<!tpu.dma_semaphore, #tpu.memory_space<semaphore_mem>>, %arg38: memref<!tpu.dma_semaphore, #tpu.memory_space<semaphore_mem>>, %arg39: memref<!tpu.dma_semaphore, #tpu.memory_space<semaphore_mem>>, %arg40: memref<!tpu.dma_semaphore, #tpu.memory_space<semaphore_mem>>, %arg41: memref<4000xf32, #tpu.memory_space<vmem>>, %arg42: memref<4000xf32, #tpu.memory_space<vmem>>, %arg43: memref<!tpu.dma_semaphore, #tpu.memory_space<semaphore_mem>>, %arg44: memref<!tpu.dma_semaphore, #tpu.memory_space<semaphore_mem>>, %arg45: memref<4000xf32, #tpu.memory_space<vmem>>, %arg46: memref<4000xf32, #tpu.memory_space<vmem>>, %arg47: memref<4000xf32, #tpu.memory_space<vmem>>, %arg48: memref<4000xf32, #tpu.memory_space<vmem>>, %arg49: memref<4x16xf32, #tpu.memory_space<vmem>>, %arg50: memref<2x16xi32, #tpu.memory_space<vmem>>, %arg51: memref<4000xi32, #tpu.memory_space<vmem>>, %arg52: memref<4000xi32, #tpu.memory_space<vmem>>, %arg53: memref<!tpu.dma_semaphore, #tpu.memory_space<semaphore_mem>>, %arg54: memref<!tpu.dma_semaphore, #tpu.memory_space<semaphore_mem>>, %arg55: memref<!tpu.dma_semaphore, #tpu.memory_space<semaphore_mem>>, %arg56: memref<!tpu.dma_semaphore, #tpu.memory_space<semaphore_mem>>, %arg57: memref<6256xf32, #tpu.memory_space<vmem>>, %arg58: memref<100096xf32, #tpu.memory_space<vmem_shared>>, %arg59: memref<100096xf32, #tpu.memory_space<vmem_shared>>) attributes {dimension_semantics = [#tpu.dimension_semantics<core_parallel>, #tpu.dimension_semantics<subcore_parallel>], iteration_bounds = array<i64: 2, 16>, scalar_prefetch = 0 : i64, scratch_operands = 44 : i64, tpu.core_type = #tpu.core_type<sc_vector_subcore>, window_params = [{transform_indices = #map}, {transform_indices = #map}, {transform_indices = #map}, {transform_indices = #map}, {transform_indices = #map}, {transform_indices = #map}, {transform_indices = #map}, {transform_indices = #map1}, {transform_indices = #map1}, {transform_indices = #map}, {transform_indices = #map}, {transform_indices = #map}, {transform_indices = #map}, {transform_indices = #map}]} {
    %mul3A = arith.constant 6256 : i32
    %mul3A_0 = arith.muli %arg1, %mul3A : i32
    "tpu.region"() ({
      %run_scoped3A = tpu.sem_alloc : memref<!tpu.dma_semaphore, #tpu.memory_space<semaphore_mem>>
      %dma_start3A_80 = tpu.memref_slice %arg6[%mul3A_0] : memref<100096xf32, #tpu.memory_space<hbm>> -> memref<6256xf32, #tpu.memory_space<hbm>>
      %dma_start3A_81 = tpu.memref_slice %arg6[%mul3A_0] : memref<100096xf32, #tpu.memory_space<hbm>> -> memref<6256xf32, #tpu.memory_space<hbm>>
      tpu.enqueue_dma source(%dma_start3A_81 : memref<6256xf32, #tpu.memory_space<hbm>>) target(%arg57 : memref<6256xf32, #tpu.memory_space<vmem>>) target_semaphore(%run_scoped3A : memref<!tpu.dma_semaphore, #tpu.memory_space<semaphore_mem>>)
      %dma_wait3A_82 = tpu.memref_slice %arg6[%mul3A_0] : memref<100096xf32, #tpu.memory_space<hbm>> -> memref<6256xf32, #tpu.memory_space<hbm>>
      %dma_wait3A_83 = tpu.memref_slice %arg6[%mul3A_0] : memref<100096xf32, #tpu.memory_space<hbm>> -> memref<6256xf32, #tpu.memory_space<hbm>>
      tpu.wait_dma2 semaphore(%run_scoped3A : memref<!tpu.dma_semaphore, #tpu.memory_space<semaphore_mem>>) src(%dma_wait3A_83 : memref<6256xf32, #tpu.memory_space<hbm>>) dst(%arg57 : memref<6256xf32, #tpu.memory_space<vmem>>)
      tpu.yield
    }) : () -> ()
    "tpu.region"() ({
      %run_scoped3A = tpu.sem_alloc : memref<!tpu.dma_semaphore, #tpu.memory_space<semaphore_mem>>
      %dma_start3A_80 = tpu.memref_slice %arg58[%mul3A_0] : memref<100096xf32, #tpu.memory_space<vmem_shared>> -> memref<6256xf32, #tpu.memory_space<vmem_shared>>
      %dma_start3A_81 = tpu.memref_slice %arg58[%mul3A_0] : memref<100096xf32, #tpu.memory_space<vmem_shared>> -> memref<6256xf32, #tpu.memory_space<vmem_shared>>
      tpu.enqueue_dma source(%arg57 : memref<6256xf32, #tpu.memory_space<vmem>>) target(%dma_start3A_81 : memref<6256xf32, #tpu.memory_space<vmem_shared>>) target_semaphore(%run_scoped3A : memref<!tpu.dma_semaphore, #tpu.memory_space<semaphore_mem>>)
      %dma_wait3A_82 = tpu.memref_slice %arg58[%mul3A_0] : memref<100096xf32, #tpu.memory_space<vmem_shared>> -> memref<6256xf32, #tpu.memory_space<vmem_shared>>
      %dma_wait3A_83 = tpu.memref_slice %arg58[%mul3A_0] : memref<100096xf32, #tpu.memory_space<vmem_shared>> -> memref<6256xf32, #tpu.memory_space<vmem_shared>>
      tpu.wait_dma2 semaphore(%run_scoped3A : memref<!tpu.dma_semaphore, #tpu.memory_space<semaphore_mem>>) src(%arg57 : memref<6256xf32, #tpu.memory_space<vmem>>) dst(%dma_wait3A_83 : memref<6256xf32, #tpu.memory_space<vmem_shared>>)
      tpu.yield
    }) : () -> ()
    "tpu.region"() ({
      %run_scoped3A = tpu.sem_alloc : memref<!tpu.dma_semaphore, #tpu.memory_space<semaphore_mem>>
      %dma_start3A_80 = tpu.memref_slice %arg7[%mul3A_0] : memref<100096xf32, #tpu.memory_space<hbm>> -> memref<6256xf32, #tpu.memory_space<hbm>>
      %dma_start3A_81 = tpu.memref_slice %arg7[%mul3A_0] : memref<100096xf32, #tpu.memory_space<hbm>> -> memref<6256xf32, #tpu.memory_space<hbm>>
      tpu.enqueue_dma source(%dma_start3A_81 : memref<6256xf32, #tpu.memory_space<hbm>>) target(%arg57 : memref<6256xf32, #tpu.memory_space<vmem>>) target_semaphore(%run_scoped3A : memref<!tpu.dma_semaphore, #tpu.memory_space<semaphore_mem>>)
      %dma_wait3A_82 = tpu.memref_slice %arg7[%mul3A_0] : memref<100096xf32, #tpu.memory_space<hbm>> -> memref<6256xf32, #tpu.memory_space<hbm>>
      %dma_wait3A_83 = tpu.memref_slice %arg7[%mul3A_0] : memref<100096xf32, #tpu.memory_space<hbm>> -> memref<6256xf32, #tpu.memory_space<hbm>>
      tpu.wait_dma2 semaphore(%run_scoped3A : memref<!tpu.dma_semaphore, #tpu.memory_space<semaphore_mem>>) src(%dma_wait3A_83 : memref<6256xf32, #tpu.memory_space<hbm>>) dst(%arg57 : memref<6256xf32, #tpu.memory_space<vmem>>)
      tpu.yield
    }) : () -> ()
    "tpu.region"() ({
      %run_scoped3A = tpu.sem_alloc : memref<!tpu.dma_semaphore, #tpu.memory_space<semaphore_mem>>
      %dma_start3A_80 = tpu.memref_slice %arg59[%mul3A_0] : memref<100096xf32, #tpu.memory_space<vmem_shared>> -> memref<6256xf32, #tpu.memory_space<vmem_shared>>
      %dma_start3A_81 = tpu.memref_slice %arg59[%mul3A_0] : memref<100096xf32, #tpu.memory_space<vmem_shared>> -> memref<6256xf32, #tpu.memory_space<vmem_shared>>
      tpu.enqueue_dma source(%arg57 : memref<6256xf32, #tpu.memory_space<vmem>>) target(%dma_start3A_81 : memref<6256xf32, #tpu.memory_space<vmem_shared>>) target_semaphore(%run_scoped3A : memref<!tpu.dma_semaphore, #tpu.memory_space<semaphore_mem>>)
      %dma_wait3A_82 = tpu.memref_slice %arg59[%mul3A_0] : memref<100096xf32, #tpu.memory_space<vmem_shared>> -> memref<6256xf32, #tpu.memory_space<vmem_shared>>
      %dma_wait3A_83 = tpu.memref_slice %arg59[%mul3A_0] : memref<100096xf32, #tpu.memory_space<vmem_shared>> -> memref<6256xf32, #tpu.memory_space<vmem_shared>>
      tpu.wait_dma2 semaphore(%run_scoped3A : memref<!tpu.dma_semaphore, #tpu.memory_space<semaphore_mem>>) src(%arg57 : memref<6256xf32, #tpu.memory_space<vmem>>) dst(%dma_wait3A_83 : memref<6256xf32, #tpu.memory_space<vmem_shared>>)
      tpu.yield
    }) : () -> ()
    "tpu.region"() ({
      %run_scoped3A = tpu.sem_alloc : memref<!tpu.dma_semaphore, #tpu.memory_space<semaphore_mem>>
      tpu.enqueue_dma source(%arg8 : memref<6256xf32, #tpu.memory_space<hbm>>) target(%arg57 : memref<6256xf32, #tpu.memory_space<vmem>>) target_semaphore(%run_scoped3A : memref<!tpu.dma_semaphore, #tpu.memory_space<semaphore_mem>>)
      tpu.wait_dma2 semaphore(%run_scoped3A : memref<!tpu.dma_semaphore, #tpu.memory_space<semaphore_mem>>) src(%arg8 : memref<6256xf32, #tpu.memory_space<hbm>>) dst(%arg57 : memref<6256xf32, #tpu.memory_space<vmem>>)
      tpu.yield
    }) : () -> ()
    "tpu.region"() ({
      %run_scoped3A = tpu.sem_alloc : memref<!tpu.dma_semaphore, #tpu.memory_space<semaphore_mem>>
      %dma_start3A_80 = tpu.memref_slice %arg16[%mul3A_0] : memref<100096xf32, #tpu.memory_space<vmem_shared>> -> memref<6256xf32, #tpu.memory_space<vmem_shared>>
      %dma_start3A_81 = tpu.memref_slice %arg16[%mul3A_0] : memref<100096xf32, #tpu.memory_space<vmem_shared>> -> memref<6256xf32, #tpu.memory_space<vmem_shared>>
      tpu.enqueue_dma source(%arg57 : memref<6256xf32, #tpu.memory_space<vmem>>) target(%dma_start3A_81 : memref<6256xf32, #tpu.memory_space<vmem_shared>>) target_semaphore(%run_scoped3A : memref<!tpu.dma_semaphore, #tpu.memory_space<semaphore_mem>>)
      %dma_wait3A_82 = tpu.memref_slice %arg16[%mul3A_0] : memref<100096xf32, #tpu.memory_space<vmem_shared>> -> memref<6256xf32, #tpu.memory_space<vmem_shared>>
      %dma_wait3A_83 = tpu.memref_slice %arg16[%mul3A_0] : memref<100096xf32, #tpu.memory_space<vmem_shared>> -> memref<6256xf32, #tpu.memory_space<vmem_shared>>
      tpu.wait_dma2 semaphore(%run_scoped3A : memref<!tpu.dma_semaphore, #tpu.memory_space<semaphore_mem>>) src(%arg57 : memref<6256xf32, #tpu.memory_space<vmem>>) dst(%dma_wait3A_83 : memref<6256xf32, #tpu.memory_space<vmem_shared>>)
      tpu.yield
    }) : () -> ()
    "tpu.region"() ({
      %run_scoped3A = tpu.sem_alloc : memref<!tpu.dma_semaphore, #tpu.memory_space<semaphore_mem>>
      %dma_start3A_80 = tpu.memref_slice %arg17[%mul3A_0] : memref<100096xf32, #tpu.memory_space<vmem_shared>> -> memref<6256xf32, #tpu.memory_space<vmem_shared>>
      %dma_start3A_81 = tpu.memref_slice %arg17[%mul3A_0] : memref<100096xf32, #tpu.memory_space<vmem_shared>> -> memref<6256xf32, #tpu.memory_space<vmem_shared>>
      tpu.enqueue_dma source(%arg57 : memref<6256xf32, #tpu.memory_space<vmem>>) target(%dma_start3A_81 : memref<6256xf32, #tpu.memory_space<vmem_shared>>) target_semaphore(%run_scoped3A : memref<!tpu.dma_semaphore, #tpu.memory_space<semaphore_mem>>)
      %dma_wait3A_82 = tpu.memref_slice %arg17[%mul3A_0] : memref<100096xf32, #tpu.memory_space<vmem_shared>> -> memref<6256xf32, #tpu.memory_space<vmem_shared>>
      %dma_wait3A_83 = tpu.memref_slice %arg17[%mul3A_0] : memref<100096xf32, #tpu.memory_space<vmem_shared>> -> memref<6256xf32, #tpu.memory_space<vmem_shared>>
      tpu.wait_dma2 semaphore(%run_scoped3A : memref<!tpu.dma_semaphore, #tpu.memory_space<semaphore_mem>>) src(%arg57 : memref<6256xf32, #tpu.memory_space<vmem>>) dst(%dma_wait3A_83 : memref<6256xf32, #tpu.memory_space<vmem_shared>>)
      tpu.yield
    }) : () -> ()
    "tpu.region"() ({
      %run_scoped3A = tpu.sem_alloc : memref<!tpu.dma_semaphore, #tpu.memory_space<semaphore_mem>>
      %dma_start3A_80 = tpu.memref_slice %arg18[%mul3A_0] : memref<100096xf32, #tpu.memory_space<vmem_shared>> -> memref<6256xf32, #tpu.memory_space<vmem_shared>>
      %dma_start3A_81 = tpu.memref_slice %arg18[%mul3A_0] : memref<100096xf32, #tpu.memory_space<vmem_shared>> -> memref<6256xf32, #tpu.memory_space<vmem_shared>>
      tpu.enqueue_dma source(%arg57 : memref<6256xf32, #tpu.memory_space<vmem>>) target(%dma_start3A_81 : memref<6256xf32, #tpu.memory_space<vmem_shared>>) target_semaphore(%run_scoped3A : memref<!tpu.dma_semaphore, #tpu.memory_space<semaphore_mem>>)
      %dma_wait3A_82 = tpu.memref_slice %arg18[%mul3A_0] : memref<100096xf32, #tpu.memory_space<vmem_shared>> -> memref<6256xf32, #tpu.memory_space<vmem_shared>>
      %dma_wait3A_83 = tpu.memref_slice %arg18[%mul3A_0] : memref<100096xf32, #tpu.memory_space<vmem_shared>> -> memref<6256xf32, #tpu.memory_space<vmem_shared>>
      tpu.wait_dma2 semaphore(%run_scoped3A : memref<!tpu.dma_semaphore, #tpu.memory_space<semaphore_mem>>) src(%arg57 : memref<6256xf32, #tpu.memory_space<vmem>>) dst(%dma_wait3A_83 : memref<6256xf32, #tpu.memory_space<vmem_shared>>)
      tpu.yield
    }) : () -> ()
    "tpu.region"() ({
      %run_scoped3A = tpu.sem_alloc : memref<!tpu.dma_semaphore, #tpu.memory_space<semaphore_mem>>
      %dma_start3A_80 = tpu.memref_slice %arg19[%mul3A_0] : memref<100096xf32, #tpu.memory_space<vmem_shared>> -> memref<6256xf32, #tpu.memory_space<vmem_shared>>
      %dma_start3A_81 = tpu.memref_slice %arg19[%mul3A_0] : memref<100096xf32, #tpu.memory_space<vmem_shared>> -> memref<6256xf32, #tpu.memory_space<vmem_shared>>
      tpu.enqueue_dma source(%arg57 : memref<6256xf32, #tpu.memory_space<vmem>>) target(%dma_start3A_81 : memref<6256xf32, #tpu.memory_space<vmem_shared>>) target_semaphore(%run_scoped3A : memref<!tpu.dma_semaphore, #tpu.memory_space<semaphore_mem>>)
      %dma_wait3A_82 = tpu.memref_slice %arg19[%mul3A_0] : memref<100096xf32, #tpu.memory_space<vmem_shared>> -> memref<6256xf32, #tpu.memory_space<vmem_shared>>
      %dma_wait3A_83 = tpu.memref_slice %arg19[%mul3A_0] : memref<100096xf32, #tpu.memory_space<vmem_shared>> -> memref<6256xf32, #tpu.memory_space<vmem_shared>>
      tpu.wait_dma2 semaphore(%run_scoped3A : memref<!tpu.dma_semaphore, #tpu.memory_space<semaphore_mem>>) src(%arg57 : memref<6256xf32, #tpu.memory_space<vmem>>) dst(%dma_wait3A_83 : memref<6256xf32, #tpu.memory_space<vmem_shared>>)
      tpu.yield
    }) : () -> ()
    "tpu.region"() ({
      %run_scoped3A = tpu.sem_alloc : memref<!tpu.dma_semaphore, #tpu.memory_space<semaphore_mem>>
      tpu.enqueue_dma source(%arg9 : memref<2x16xi32, #tpu.memory_space<hbm>>) target(%arg50 : memref<2x16xi32, #tpu.memory_space<vmem>>) target_semaphore(%run_scoped3A : memref<!tpu.dma_semaphore, #tpu.memory_space<semaphore_mem>>)
      tpu.wait_dma2 semaphore(%run_scoped3A : memref<!tpu.dma_semaphore, #tpu.memory_space<semaphore_mem>>) src(%arg9 : memref<2x16xi32, #tpu.memory_space<hbm>>) dst(%arg50 : memref<2x16xi32, #tpu.memory_space<vmem>>)
      tpu.yield
    }) : () -> ()
    "tpu.region"() ({
      %run_scoped3A = tpu.sem_alloc : memref<!tpu.dma_semaphore, #tpu.memory_space<semaphore_mem>>
      tpu.enqueue_dma source(%arg10 : memref<4x16xf32, #tpu.memory_space<hbm>>) target(%arg49 : memref<4x16xf32, #tpu.memory_space<vmem>>) target_semaphore(%run_scoped3A : memref<!tpu.dma_semaphore, #tpu.memory_space<semaphore_mem>>)
      tpu.wait_dma2 semaphore(%run_scoped3A : memref<!tpu.dma_semaphore, #tpu.memory_space<semaphore_mem>>) src(%arg10 : memref<4x16xf32, #tpu.memory_space<hbm>>) dst(%arg49 : memref<4x16xf32, #tpu.memory_space<vmem>>)
      tpu.yield
    }) : () -> ()
    %broadcast_in_dim3A = arith.constant 0 : i32
    %broadcast_in_dim3A_1 = vector.broadcast %broadcast_in_dim3A : i32 to vector<16xi32>
    %swap3A = arith.constant 0 : index
    %swap3A_2 = tpu.vector_load %arg30[%swap3A] {strides = array<i32>} : memref<16xi32, #tpu.memory_space<vmem>>, vector<16xi32>,
    tpu.vector_store %arg30[%swap3A], %broadcast_in_dim3A_1 {strides = array<i32>} : memref<16xi32, #tpu.memory_space<vmem>>, vector<16xi32>,
    %barrier3A = arith.constant 0 : index
    tpu.barrier barrier_id(%barrier3A)
    %get3A = arith.constant 0 : i32
    %get3A_3 = arith.index_cast %get3A : i32 to index
    %get3A_4 = arith.constant 0 : index
    %get3A_5 = tpu.vector_load %arg50[%get3A_3, %get3A_4] {strides = array<i32>} : memref<2x16xi32, #tpu.memory_space<vmem>>, vector<16xi32>,
    %get3A_6 = arith.constant 1 : i32
    %get3A_7 = arith.index_cast %get3A_6 : i32 to index
    %get3A_8 = arith.constant 0 : index
    %get3A_9 = tpu.vector_load %arg50[%get3A_7, %get3A_8] {strides = array<i32>} : memref<2x16xi32, #tpu.memory_space<vmem>>, vector<16xi32>,
    %get3A_10 = arith.constant 0 : i32
    %get3A_11 = arith.index_cast %get3A_10 : i32 to index
    %get3A_12 = arith.constant 0 : index
    %get3A_13 = tpu.vector_load %arg49[%get3A_11, %get3A_12] {strides = array<i32>} : memref<4x16xf32, #tpu.memory_space<vmem>>, vector<16xf32>,
    %get3A_14 = arith.constant 1 : i32
    %get3A_15 = arith.index_cast %get3A_14 : i32 to index
    %get3A_16 = arith.constant 0 : index
    %get3A_17 = tpu.vector_load %arg49[%get3A_15, %get3A_16] {strides = array<i32>} : memref<4x16xf32, #tpu.memory_space<vmem>>, vector<16xf32>,
    %get3A_18 = arith.constant 2 : i32
    %get3A_19 = arith.index_cast %get3A_18 : i32 to index
    %get3A_20 = arith.constant 0 : index
    %get3A_21 = tpu.vector_load %arg49[%get3A_19, %get3A_20] {strides = array<i32>} : memref<4x16xf32, #tpu.memory_space<vmem>>, vector<16xf32>,
    %get3A_22 = arith.constant 3 : i32
    %get3A_23 = arith.index_cast %get3A_22 : i32 to index
    %get3A_24 = arith.constant 0 : index
    %get3A_25 = tpu.vector_load %arg49[%get3A_23, %get3A_24] {strides = array<i32>} : memref<4x16xf32, #tpu.memory_space<vmem>>, vector<16xf32>,
    %mul3A_26 = arith.constant 16 : i32
    %mul3A_27 = arith.muli %arg0, %mul3A_26 : i32
    %add3A = arith.addi %mul3A_27, %arg1 : i32
    %mul3A_28 = arith.constant 200000 : i32
    %mul3A_29 = arith.muli %add3A, %mul3A_28 : i32
    %add3A_30 = arith.constant 0 : i32
    %add3A_31 = arith.addi %mul3A_29, %add3A_30 : i32
    %dma_start3A = tpu.memref_slice %arg2[%add3A_31] : memref<6400000xi32, #tpu.memory_space<hbm>> -> memref<4000xi32, #tpu.memory_space<hbm>>
    %dma_start3A_32 = tpu.memref_slice %arg2[%add3A_31] : memref<6400000xi32, #tpu.memory_space<hbm>> -> memref<4000xi32, #tpu.memory_space<hbm>>
    tpu.enqueue_dma source(%dma_start3A_32 : memref<4000xi32, #tpu.memory_space<hbm>>) target(%arg51 : memref<4000xi32, #tpu.memory_space<vmem>>) target_semaphore(%arg43 : memref<!tpu.dma_semaphore, #tpu.memory_space<semaphore_mem>>)
    %dma_start3A_33 = tpu.memref_slice %arg3[%add3A_31] : memref<6400000xi32, #tpu.memory_space<hbm>> -> memref<4000xi32, #tpu.memory_space<hbm>>
    %dma_start3A_34 = tpu.memref_slice %arg3[%add3A_31] : memref<6400000xi32, #tpu.memory_space<hbm>> -> memref<4000xi32, #tpu.memory_space<hbm>>
    tpu.enqueue_dma source(%dma_start3A_34 : memref<4000xi32, #tpu.memory_space<hbm>>) target(%arg22 : memref<4000xi32, #tpu.memory_space<vmem>>) target_semaphore(%arg43 : memref<!tpu.dma_semaphore, #tpu.memory_space<semaphore_mem>>)
    %dma_start3A_35 = tpu.memref_slice %arg4[%add3A_31] : memref<6400000xf32, #tpu.memory_space<hbm>> -> memref<4000xf32, #tpu.memory_space<hbm>>
    %dma_start3A_36 = tpu.memref_slice %arg4[%add3A_31] : memref<6400000xf32, #tpu.memory_space<hbm>> -> memref<4000xf32, #tpu.memory_space<hbm>>
    tpu.enqueue_dma source(%dma_start3A_36 : memref<4000xf32, #tpu.memory_space<hbm>>) target(%arg41 : memref<4000xf32, #tpu.memory_space<vmem>>) target_semaphore(%arg43 : memref<!tpu.dma_semaphore, #tpu.memory_space<semaphore_mem>>)
    %dma_start3A_37 = tpu.memref_slice %arg5[%add3A_31] : memref<6400000xf32, #tpu.memory_space<hbm>> -> memref<4000xf32, #tpu.memory_space<hbm>>
    %dma_start3A_38 = tpu.memref_slice %arg5[%add3A_31] : memref<6400000xf32, #tpu.memory_space<hbm>> -> memref<4000xf32, #tpu.memory_space<hbm>>
    tpu.enqueue_dma source(%dma_start3A_38 : memref<4000xf32, #tpu.memory_space<hbm>>) target(%arg20 : memref<4000xf32, #tpu.memory_space<vmem>>) target_semaphore(%arg43 : memref<!tpu.dma_semaphore, #tpu.memory_space<semaphore_mem>>)
    %add3A_39 = arith.constant 4000 : i32
    %add3A_40 = arith.addi %mul3A_29, %add3A_39 : i32
    %dma_start3A_41 = tpu.memref_slice %arg2[%add3A_40] : memref<6400000xi32, #tpu.memory_space<hbm>> -> memref<4000xi32, #tpu.memory_space<hbm>>
    %dma_start3A_42 = tpu.memref_slice %arg2[%add3A_40] : memref<6400000xi32, #tpu.memory_space<hbm>> -> memref<4000xi32, #tpu.memory_space<hbm>>
    tpu.enqueue_dma source(%dma_start3A_42 : memref<4000xi32, #tpu.memory_space<hbm>>) target(%arg52 : memref<4000xi32, #tpu.memory_space<vmem>>) target_semaphore(%arg44 : memref<!tpu.dma_semaphore, #tpu.memory_space<semaphore_mem>>)
    %dma_start3A_43 = tpu.memref_slice %arg3[%add3A_40] : memref<6400000xi32, #tpu.memory_space<hbm>> -> memref<4000xi32, #tpu.memory_space<hbm>>
    %dma_start3A_44 = tpu.memref_slice %arg3[%add3A_40] : memref<6400000xi32, #tpu.memory_space<hbm>> -> memref<4000xi32, #tpu.memory_space<hbm>>
    tpu.enqueue_dma source(%dma_start3A_44 : memref<4000xi32, #tpu.memory_space<hbm>>) target(%arg23 : memref<4000xi32, #tpu.memory_space<vmem>>) target_semaphore(%arg44 : memref<!tpu.dma_semaphore, #tpu.memory_space<semaphore_mem>>)
    %dma_start3A_45 = tpu.memref_slice %arg4[%add3A_40] : memref<6400000xf32, #tpu.memory_space<hbm>> -> memref<4000xf32, #tpu.memory_space<hbm>>
    %dma_start3A_46 = tpu.memref_slice %arg4[%add3A_40] : memref<6400000xf32, #tpu.memory_space<hbm>> -> memref<4000xf32, #tpu.memory_space<hbm>>
    tpu.enqueue_dma source(%dma_start3A_46 : memref<4000xf32, #tpu.memory_space<hbm>>) target(%arg42 : memref<4000xf32, #tpu.memory_space<vmem>>) target_semaphore(%arg44 : memref<!tpu.dma_semaphore, #tpu.memory_space<semaphore_mem>>)
    %dma_start3A_47 = tpu.memref_slice %arg5[%add3A_40] : memref<6400000xf32, #tpu.memory_space<hbm>> -> memref<4000xf32, #tpu.memory_space<hbm>>
    %dma_start3A_48 = tpu.memref_slice %arg5[%add3A_40] : memref<6400000xf32, #tpu.memory_space<hbm>> -> memref<4000xf32, #tpu.memory_space<hbm>>
    tpu.enqueue_dma source(%dma_start3A_48 : memref<4000xf32, #tpu.memory_space<hbm>>) target(%arg21 : memref<4000xf32, #tpu.memory_space<vmem>>) target_semaphore(%arg44 : memref<!tpu.dma_semaphore, #tpu.memory_space<semaphore_mem>>)
    %add3A_49 = arith.constant 0 : i32
    %add3A_50 = arith.addi %mul3A_29, %add3A_49 : i32
    %dma_wait3A = tpu.memref_slice %arg2[%add3A_50] : memref<6400000xi32, #tpu.memory_space<hbm>> -> memref<4000xi32, #tpu.memory_space<hbm>>
    %dma_wait3A_51 = tpu.memref_slice %arg2[%add3A_50] : memref<6400000xi32, #tpu.memory_space<hbm>> -> memref<4000xi32, #tpu.memory_space<hbm>>
    tpu.wait_dma2 semaphore(%arg43 : memref<!tpu.dma_semaphore, #tpu.memory_space<semaphore_mem>>) src(%dma_wait3A_51 : memref<4000xi32, #tpu.memory_space<hbm>>) dst(%arg51 : memref<4000xi32, #tpu.memory_space<vmem>>)
    %dma_wait3A_52 = tpu.memref_slice %arg3[%add3A_50] : memref<6400000xi32, #tpu.memory_space<hbm>> -> memref<4000xi32, #tpu.memory_space<hbm>>
    %dma_wait3A_53 = tpu.memref_slice %arg3[%add3A_50] : memref<6400000xi32, #tpu.memory_space<hbm>> -> memref<4000xi32, #tpu.memory_space<hbm>>
    tpu.wait_dma2 semaphore(%arg43 : memref<!tpu.dma_semaphore, #tpu.memory_space<semaphore_mem>>) src(%dma_wait3A_53 : memref<4000xi32, #tpu.memory_space<hbm>>) dst(%arg22 : memref<4000xi32, #tpu.memory_space<vmem>>)
    %dma_wait3A_54 = tpu.memref_slice %arg4[%add3A_50] : memref<6400000xf32, #tpu.memory_space<hbm>> -> memref<4000xf32, #tpu.memory_space<hbm>>
    %dma_wait3A_55 = tpu.memref_slice %arg4[%add3A_50] : memref<6400000xf32, #tpu.memory_space<hbm>> -> memref<4000xf32, #tpu.memory_space<hbm>>
    tpu.wait_dma2 semaphore(%arg43 : memref<!tpu.dma_semaphore, #tpu.memory_space<semaphore_mem>>) src(%dma_wait3A_55 : memref<4000xf32, #tpu.memory_space<hbm>>) dst(%arg41 : memref<4000xf32, #tpu.memory_space<vmem>>)
    %dma_wait3A_56 = tpu.memref_slice %arg5[%add3A_50] : memref<6400000xf32, #tpu.memory_space<hbm>> -> memref<4000xf32, #tpu.memory_space<hbm>>
    %dma_wait3A_57 = tpu.memref_slice %arg5[%add3A_50] : memref<6400000xf32, #tpu.memory_space<hbm>> -> memref<4000xf32, #tpu.memory_space<hbm>>
    tpu.wait_dma2 semaphore(%arg43 : memref<!tpu.dma_semaphore, #tpu.memory_space<semaphore_mem>>) src(%dma_wait3A_57 : memref<4000xf32, #tpu.memory_space<hbm>>) dst(%arg20 : memref<4000xf32, #tpu.memory_space<vmem>>)
    %dma_start3A_58 = arith.constant 0 : i32
    %dma_start3A_59 = tpu.memref_slice %arg58[%dma_start3A_58] : memref<100096xf32, #tpu.memory_space<vmem_shared>> -> memref<100096xf32, #tpu.memory_space<vmem_shared>>
    tpu.enqueue_indirect_dma source(%dma_start3A_59 : memref<100096xf32, #tpu.memory_space<vmem_shared>>) target(%arg26 : memref<4000xf32, #tpu.memory_space<vmem>>) offsets(%arg51 : memref<4000xi32, #tpu.memory_space<vmem>>) semaphore(%arg33 : memref<!tpu.dma_semaphore, #tpu.memory_space<semaphore_mem>>)
    %dma_start3A_60 = arith.constant 0 : i32
    %dma_start3A_61 = tpu.memref_slice %arg59[%dma_start3A_60] : memref<100096xf32, #tpu.memory_space<vmem_shared>> -> memref<100096xf32, #tpu.memory_space<vmem_shared>>
    tpu.enqueue_indirect_dma source(%dma_start3A_61 : memref<100096xf32, #tpu.memory_space<vmem_shared>>) target(%arg31 : memref<4000xf32, #tpu.memory_space<vmem>>) offsets(%arg51 : memref<4000xi32, #tpu.memory_space<vmem>>) semaphore(%arg35 : memref<!tpu.dma_semaphore, #tpu.memory_space<semaphore_mem>>)
    %dma_start3A_62 = arith.constant 0 : i32
    %dma_start3A_63 = tpu.memref_slice %arg58[%dma_start3A_62] : memref<100096xf32, #tpu.memory_space<vmem_shared>> -> memref<100096xf32, #tpu.memory_space<vmem_shared>>
    tpu.enqueue_indirect_dma source(%dma_start3A_63 : memref<100096xf32, #tpu.memory_space<vmem_shared>>) target(%arg24 : memref<4000xf32, #tpu.memory_space<vmem>>) offsets(%arg22 : memref<4000xi32, #tpu.memory_space<vmem>>) semaphore(%arg37 : memref<!tpu.dma_semaphore, #tpu.memory_space<semaphore_mem>>)
    %dma_start3A_64 = arith.constant 0 : i32
    %dma_start3A_65 = tpu.memref_slice %arg59[%dma_start3A_64] : memref<100096xf32, #tpu.memory_space<vmem_shared>> -> memref<100096xf32, #tpu.memory_space<vmem_shared>>
    tpu.enqueue_indirect_dma source(%dma_start3A_65 : memref<100096xf32, #tpu.memory_space<vmem_shared>>) target(%arg28 : memref<4000xf32, #tpu.memory_space<vmem>>) offsets(%arg22 : memref<4000xi32, #tpu.memory_space<vmem>>) semaphore(%arg39 : memref<!tpu.dma_semaphore, #tpu.memory_space<semaphore_mem>>)
    %scan3A = arith.constant 0 : i32
    %scan3A_66 = arith.constant 0 : i32
    %scan3A_67 = arith.constant 25 : i32
    %scan3A_68 = arith.addi %scan3A_66, %scan3A_67 : i32
    %scan3A_69 = arith.constant 1 : i32
    scf.for %scan3A_80 = %scan3A_66 to %scan3A_68 step %scan3A_69  : i32 {
      %mul3A_81 = arith.constant 2 : i32
      %mul3A_82 = arith.muli %scan3A_80, %mul3A_81 : i32
      %add3A_83 = arith.constant 0 : i32
      %add3A_84 = arith.addi %mul3A_82, %add3A_83 : i32
      %dma_wait3A_85 = arith.constant 0 : i32
      %dma_wait3A_86 = tpu.memref_slice %arg58[%dma_wait3A_85] : memref<100096xf32, #tpu.memory_space<vmem_shared>> -> memref<100096xf32, #tpu.memory_space<vmem_shared>>
      tpu.wait_indirect_dma semaphore(%arg33 : memref<!tpu.dma_semaphore, #tpu.memory_space<semaphore_mem>>) src(%dma_wait3A_86 : memref<100096xf32, #tpu.memory_space<vmem_shared>>) dst(%arg26 : memref<4000xf32, #tpu.memory_space<vmem>>)
      %dma_wait3A_87 = arith.constant 0 : i32
      %dma_wait3A_88 = tpu.memref_slice %arg59[%dma_wait3A_87] : memref<100096xf32, #tpu.memory_space<vmem_shared>> -> memref<100096xf32, #tpu.memory_space<vmem_shared>>
      tpu.wait_indirect_dma semaphore(%arg35 : memref<!tpu.dma_semaphore, #tpu.memory_space<semaphore_mem>>) src(%dma_wait3A_88 : memref<100096xf32, #tpu.memory_space<vmem_shared>>) dst(%arg31 : memref<4000xf32, #tpu.memory_space<vmem>>)
      %dma_wait3A_89 = arith.constant 0 : i32
      %dma_wait3A_90 = tpu.memref_slice %arg58[%dma_wait3A_89] : memref<100096xf32, #tpu.memory_space<vmem_shared>> -> memref<100096xf32, #tpu.memory_space<vmem_shared>>
      tpu.wait_indirect_dma semaphore(%arg37 : memref<!tpu.dma_semaphore, #tpu.memory_space<semaphore_mem>>) src(%dma_wait3A_90 : memref<100096xf32, #tpu.memory_space<vmem_shared>>) dst(%arg24 : memref<4000xf32, #tpu.memory_space<vmem>>)
      %dma_wait3A_91 = arith.constant 0 : i32
      %dma_wait3A_92 = tpu.memref_slice %arg59[%dma_wait3A_91] : memref<100096xf32, #tpu.memory_space<vmem_shared>> -> memref<100096xf32, #tpu.memory_space<vmem_shared>>
      tpu.wait_indirect_dma semaphore(%arg39 : memref<!tpu.dma_semaphore, #tpu.memory_space<semaphore_mem>>) src(%dma_wait3A_92 : memref<100096xf32, #tpu.memory_space<vmem_shared>>) dst(%arg28 : memref<4000xf32, #tpu.memory_space<vmem>>)
      %scan3A_93 = arith.constant 0 : i32
      %scan3A_94 = arith.constant 0 : i32
      %scan3A_95 = arith.constant 250 : i32
      %scan3A_96 = arith.addi %scan3A_94, %scan3A_95 : i32
      %scan3A_97 = arith.constant 1 : i32
      %scan3A_98 = scf.for %scan3A_176 = %scan3A_94 to %scan3A_96 step %scan3A_97 iter_args(%scan3A_177 = %scan3A_93) -> (i32)  : i32 {
        %mul3A_178 = arith.constant 16 : i32
        %mul3A_179 = arith.muli %scan3A_176, %mul3A_178 : i32
        %get3A_180 = arith.index_cast %mul3A_179 : i32 to index
        %get3A_181 = tpu.vector_load %arg51[%get3A_180] {strides = array<i32>} : memref<4000xi32, #tpu.memory_space<vmem>>, vector<16xi32>,
        %get3A_182 = arith.index_cast %mul3A_179 : i32 to index
        %get3A_183 = tpu.vector_load %arg22[%get3A_182] {strides = array<i32>} : memref<4000xi32, #tpu.memory_space<vmem>>, vector<16xi32>,
        %get3A_184 = arith.index_cast %mul3A_179 : i32 to index
        %get3A_185 = tpu.vector_load %arg26[%get3A_184] {strides = array<i32>} : memref<4000xf32, #tpu.memory_space<vmem>>, vector<16xf32>,
        %get3A_186 = arith.index_cast %mul3A_179 : i32 to index
        %get3A_187 = tpu.vector_load %arg31[%get3A_186] {strides = array<i32>} : memref<4000xf32, #tpu.memory_space<vmem>>, vector<16xf32>,
        %get3A_188 = arith.index_cast %mul3A_179 : i32 to index
        %get3A_189 = tpu.vector_load %arg24[%get3A_188] {strides = array<i32>} : memref<4000xf32, #tpu.memory_space<vmem>>, vector<16xf32>,
        %get3A_190 = arith.index_cast %mul3A_179 : i32 to index
        %get3A_191 = tpu.vector_load %arg28[%get3A_190] {strides = array<i32>} : memref<4000xf32, #tpu.memory_space<vmem>>, vector<16xf32>,
        %get3A_192 = arith.index_cast %mul3A_179 : i32 to index
        %get3A_193 = tpu.vector_load %arg41[%get3A_192] {strides = array<i32>} : memref<4000xf32, #tpu.memory_space<vmem>>, vector<16xf32>,
        %mul3A_194 = arith.mulf %get3A_193, %get3A_13 : vector<16xf32>
        %add3A_195 = arith.addf %mul3A_194, %get3A_21 : vector<16xf32>
        %get3A_196 = arith.index_cast %mul3A_179 : i32 to index
        %get3A_197 = tpu.vector_load %arg20[%get3A_196] {strides = array<i32>} : memref<4000xf32, #tpu.memory_space<vmem>>, vector<16xf32>,
        %mul3A_198 = arith.mulf %get3A_197, %get3A_17 : vector<16xf32>
        %add3A_199 = arith.addf %mul3A_198, %get3A_25 : vector<16xf32>
        %mul3A_200 = arith.mulf %get3A_185, %get3A_189 : vector<16xf32>
        %mul3A_201 = arith.mulf %get3A_187, %get3A_191 : vector<16xf32>
        %add3A_202 = arith.addf %mul3A_200, %mul3A_201 : vector<16xf32>
        %mul3A_203 = arith.mulf %get3A_187, %get3A_189 : vector<16xf32>
        %mul3A_204 = arith.mulf %get3A_185, %get3A_191 : vector<16xf32>
        %sub3A = arith.subf %mul3A_203, %mul3A_204 : vector<16xf32>
        %mul3A_205 = arith.mulf %get3A_185, %get3A_185 : vector<16xf32>
        %mul3A_206 = arith.mulf %get3A_187, %get3A_187 : vector<16xf32>
        %add3A_207 = arith.addf %mul3A_205, %mul3A_206 : vector<16xf32>
        %sub3A_208 = arith.subf %add3A_207, %add3A_202 : vector<16xf32>
        %mul3A_209 = arith.mulf %get3A_189, %get3A_189 : vector<16xf32>
        %mul3A_210 = arith.mulf %get3A_191, %get3A_191 : vector<16xf32>
        %add3A_211 = arith.addf %mul3A_209, %mul3A_210 : vector<16xf32>
        %sub3A_212 = arith.subf %add3A_211, %add3A_202 : vector<16xf32>
        %mul3A_213 = arith.mulf %add3A_195, %sub3A : vector<16xf32>
        %mul3A_214 = arith.mulf %add3A_199, %sub3A : vector<16xf32>
        %mul3A_215 = arith.mulf %add3A_195, %sub3A_208 : vector<16xf32>
        %sub3A_216 = arith.subf %mul3A_215, %mul3A_214 : vector<16xf32>
        %swap3A_217 = arith.index_cast %mul3A_179 : i32 to index
        %swap3A_218 = tpu.vector_load %arg45[%swap3A_217] {strides = array<i32>} : memref<4000xf32, #tpu.memory_space<vmem>>, vector<16xf32>,
        tpu.vector_store %arg45[%swap3A_217], %sub3A_216 {strides = array<i32>} : memref<4000xf32, #tpu.memory_space<vmem>>, vector<16xf32>,
        %mul3A_219 = arith.mulf %add3A_199, %sub3A_208 : vector<16xf32>
        %neg3A = arith.constant 0.000000e+00 : f32
        %neg3A_220 = vector.broadcast %neg3A : f32 to vector<16xf32>
        %neg3A_221 = arith.subf %neg3A_220, %mul3A_219 : vector<16xf32>
        %sub3A_222 = arith.subf %neg3A_221, %mul3A_213 : vector<16xf32>
        %swap3A_223 = arith.index_cast %mul3A_179 : i32 to index
        %swap3A_224 = tpu.vector_load %arg46[%swap3A_223] {strides = array<i32>} : memref<4000xf32, #tpu.memory_space<vmem>>, vector<16xf32>,
        tpu.vector_store %arg46[%swap3A_223], %sub3A_222 {strides = array<i32>} : memref<4000xf32, #tpu.memory_space<vmem>>, vector<16xf32>,
        %mul3A_225 = arith.mulf %add3A_195, %sub3A_212 : vector<16xf32>
        %add3A_226 = arith.addf %mul3A_225, %mul3A_214 : vector<16xf32>
        %swap3A_227 = arith.index_cast %mul3A_179 : i32 to index
        %swap3A_228 = tpu.vector_load %arg47[%swap3A_227] {strides = array<i32>} : memref<4000xf32, #tpu.memory_space<vmem>>, vector<16xf32>,
        tpu.vector_store %arg47[%swap3A_227], %add3A_226 {strides = array<i32>} : memref<4000xf32, #tpu.memory_space<vmem>>, vector<16xf32>,
        %mul3A_229 = arith.mulf %add3A_199, %sub3A_212 : vector<16xf32>
        %neg3A_230 = arith.constant 0.000000e+00 : f32
        %neg3A_231 = vector.broadcast %neg3A_230 : f32 to vector<16xf32>
        %neg3A_232 = arith.subf %neg3A_231, %mul3A_229 : vector<16xf32>
        %add3A_233 = arith.addf %neg3A_232, %mul3A_213 : vector<16xf32>
        %swap3A_234 = arith.index_cast %mul3A_179 : i32 to index
        %swap3A_235 = tpu.vector_load %arg48[%swap3A_234] {strides = array<i32>} : memref<4000xf32, #tpu.memory_space<vmem>>, vector<16xf32>,
        tpu.vector_store %arg48[%swap3A_234], %add3A_233 {strides = array<i32>} : memref<4000xf32, #tpu.memory_space<vmem>>, vector<16xf32>,
        %eq3A = arith.cmpi eq, %get3A_181, %get3A_9 : vector<16xi32>
        %eq3A_236 = arith.cmpi eq, %get3A_183, %get3A_5 : vector<16xi32>
        %and3A = arith.andi %eq3A, %eq3A_236 : vector<16xi1>
        %get3A_237 = arith.constant 0 : index
        %get3A_238 = tpu.vector_load %arg30[%get3A_237] {strides = array<i32>} : memref<16xi32, #tpu.memory_space<vmem>>, vector<16xi32>,
        %convert_element_type3A_239 = arith.extui %and3A : vector<16xi1> to vector<16xi32>
        %or3A = arith.ori %get3A_238, %convert_element_type3A_239 : vector<16xi32>
        %swap3A_240 = arith.constant 0 : index
        %swap3A_241 = tpu.vector_load %arg30[%swap3A_240] {strides = array<i32>} : memref<16xi32, #tpu.memory_space<vmem>>, vector<16xi32>,
        tpu.vector_store %arg30[%swap3A_240], %or3A {strides = array<i32>} : memref<16xi32, #tpu.memory_space<vmem>>, vector<16xi32>,
        %scan3A_242 = arith.constant 0 : i32
        scf.yield %scan3A_242 : i32
      }
      %scan3A_99 = arith.constant 250 : i32
      %add3A_100 = arith.constant 1 : i32
      %add3A_101 = arith.addi %add3A_84, %add3A_100 : i32
      %lt3A = arith.constant 50 : i32
      %lt3A_102 = arith.cmpi slt, %add3A_101, %lt3A : i32
      %convert_element_type3A = arith.extui %lt3A_102 : i1 to i32
      %cond3A = arith.constant 0 : i32
      %cond3A_103 = arith.cmpi ne, %convert_element_type3A, %cond3A : i32
      scf.if %cond3A_103 {
        %add3A_176 = arith.constant 1 : i32
        %add3A_177 = arith.addi %add3A_84, %add3A_176 : i32
        %mul3A_178 = arith.constant 4000 : i32
        %mul3A_179 = arith.muli %add3A_177, %mul3A_178 : i32
        %add3A_180 = arith.addi %mul3A_29, %mul3A_179 : i32
        %dma_wait3A_181 = tpu.memref_slice %arg2[%add3A_180] : memref<6400000xi32, #tpu.memory_space<hbm>> -> memref<4000xi32, #tpu.memory_space<hbm>>
        %dma_wait3A_182 = tpu.memref_slice %arg2[%add3A_180] : memref<6400000xi32, #tpu.memory_space<hbm>> -> memref<4000xi32, #tpu.memory_space<hbm>>
        tpu.wait_dma2 semaphore(%arg44 : memref<!tpu.dma_semaphore, #tpu.memory_space<semaphore_mem>>) src(%dma_wait3A_182 : memref<4000xi32, #tpu.memory_space<hbm>>) dst(%arg52 : memref<4000xi32, #tpu.memory_space<vmem>>)
        %dma_wait3A_183 = tpu.memref_slice %arg3[%add3A_180] : memref<6400000xi32, #tpu.memory_space<hbm>> -> memref<4000xi32, #tpu.memory_space<hbm>>
        %dma_wait3A_184 = tpu.memref_slice %arg3[%add3A_180] : memref<6400000xi32, #tpu.memory_space<hbm>> -> memref<4000xi32, #tpu.memory_space<hbm>>
        tpu.wait_dma2 semaphore(%arg44 : memref<!tpu.dma_semaphore, #tpu.memory_space<semaphore_mem>>) src(%dma_wait3A_184 : memref<4000xi32, #tpu.memory_space<hbm>>) dst(%arg23 : memref<4000xi32, #tpu.memory_space<vmem>>)
        %dma_wait3A_185 = tpu.memref_slice %arg4[%add3A_180] : memref<6400000xf32, #tpu.memory_space<hbm>> -> memref<4000xf32, #tpu.memory_space<hbm>>
        %dma_wait3A_186 = tpu.memref_slice %arg4[%add3A_180] : memref<6400000xf32, #tpu.memory_space<hbm>> -> memref<4000xf32, #tpu.memory_space<hbm>>
        tpu.wait_dma2 semaphore(%arg44 : memref<!tpu.dma_semaphore, #tpu.memory_space<semaphore_mem>>) src(%dma_wait3A_186 : memref<4000xf32, #tpu.memory_space<hbm>>) dst(%arg42 : memref<4000xf32, #tpu.memory_space<vmem>>)
        %dma_wait3A_187 = tpu.memref_slice %arg5[%add3A_180] : memref<6400000xf32, #tpu.memory_space<hbm>> -> memref<4000xf32, #tpu.memory_space<hbm>>
        %dma_wait3A_188 = tpu.memref_slice %arg5[%add3A_180] : memref<6400000xf32, #tpu.memory_space<hbm>> -> memref<4000xf32, #tpu.memory_space<hbm>>
        tpu.wait_dma2 semaphore(%arg44 : memref<!tpu.dma_semaphore, #tpu.memory_space<semaphore_mem>>) src(%dma_wait3A_188 : memref<4000xf32, #tpu.memory_space<hbm>>) dst(%arg21 : memref<4000xf32, #tpu.memory_space<vmem>>)
        %dma_start3A_189 = arith.constant 0 : i32
        %dma_start3A_190 = tpu.memref_slice %arg58[%dma_start3A_189] : memref<100096xf32, #tpu.memory_space<vmem_shared>> -> memref<100096xf32, #tpu.memory_space<vmem_shared>>
        tpu.enqueue_indirect_dma source(%dma_start3A_190 : memref<100096xf32, #tpu.memory_space<vmem_shared>>) target(%arg27 : memref<4000xf32, #tpu.memory_space<vmem>>) offsets(%arg52 : memref<4000xi32, #tpu.memory_space<vmem>>) semaphore(%arg34 : memref<!tpu.dma_semaphore, #tpu.memory_space<semaphore_mem>>)
        %dma_start3A_191 = arith.constant 0 : i32
        %dma_start3A_192 = tpu.memref_slice %arg59[%dma_start3A_191] : memref<100096xf32, #tpu.memory_space<vmem_shared>> -> memref<100096xf32, #tpu.memory_space<vmem_shared>>
        tpu.enqueue_indirect_dma source(%dma_start3A_192 : memref<100096xf32, #tpu.memory_space<vmem_shared>>) target(%arg32 : memref<4000xf32, #tpu.memory_space<vmem>>) offsets(%arg52 : memref<4000xi32, #tpu.memory_space<vmem>>) semaphore(%arg36 : memref<!tpu.dma_semaphore, #tpu.memory_space<semaphore_mem>>)
        %dma_start3A_193 = arith.constant 0 : i32
        %dma_start3A_194 = tpu.memref_slice %arg58[%dma_start3A_193] : memref<100096xf32, #tpu.memory_space<vmem_shared>> -> memref<100096xf32, #tpu.memory_space<vmem_shared>>
        tpu.enqueue_indirect_dma source(%dma_start3A_194 : memref<100096xf32, #tpu.memory_space<vmem_shared>>) target(%arg25 : memref<4000xf32, #tpu.memory_space<vmem>>) offsets(%arg23 : memref<4000xi32, #tpu.memory_space<vmem>>) semaphore(%arg38 : memref<!tpu.dma_semaphore, #tpu.memory_space<semaphore_mem>>)
        %dma_start3A_195 = arith.constant 0 : i32
        %dma_start3A_196 = tpu.memref_slice %arg59[%dma_start3A_195] : memref<100096xf32, #tpu.memory_space<vmem_shared>> -> memref<100096xf32, #tpu.memory_space<vmem_shared>>
        tpu.enqueue_indirect_dma source(%dma_start3A_196 : memref<100096xf32, #tpu.memory_space<vmem_shared>>) target(%arg29 : memref<4000xf32, #tpu.memory_space<vmem>>) offsets(%arg23 : memref<4000xi32, #tpu.memory_space<vmem>>) semaphore(%arg40 : memref<!tpu.dma_semaphore, #tpu.memory_space<semaphore_mem>>)
      } else {
      }
      %dma_start3A_104 = arith.constant 0 : i32
      %dma_start3A_105 = tpu.memref_slice %arg16[%dma_start3A_104] : memref<100096xf32, #tpu.memory_space<vmem_shared>> -> memref<100096xf32, #tpu.memory_space<vmem_shared>>
      tpu.enqueue_indirect_dma source(%arg45 : memref<4000xf32, #tpu.memory_space<vmem>>) target(%dma_start3A_105 : memref<100096xf32, #tpu.memory_space<vmem_shared>>) offsets(%arg51 : memref<4000xi32, #tpu.memory_space<vmem>>) semaphore(%arg53 : memref<!tpu.dma_semaphore, #tpu.memory_space<semaphore_mem>>) {add = true}
      %dma_start3A_106 = arith.constant 0 : i32
      %dma_start3A_107 = tpu.memref_slice %arg17[%dma_start3A_106] : memref<100096xf32, #tpu.memory_space<vmem_shared>> -> memref<100096xf32, #tpu.memory_space<vmem_shared>>
      tpu.enqueue_indirect_dma source(%arg46 : memref<4000xf32, #tpu.memory_space<vmem>>) target(%dma_start3A_107 : memref<100096xf32, #tpu.memory_space<vmem_shared>>) offsets(%arg51 : memref<4000xi32, #tpu.memory_space<vmem>>) semaphore(%arg54 : memref<!tpu.dma_semaphore, #tpu.memory_space<semaphore_mem>>) {add = true}
      %dma_start3A_108 = arith.constant 0 : i32
      %dma_start3A_109 = tpu.memref_slice %arg18[%dma_start3A_108] : memref<100096xf32, #tpu.memory_space<vmem_shared>> -> memref<100096xf32, #tpu.memory_space<vmem_shared>>
      tpu.enqueue_indirect_dma source(%arg47 : memref<4000xf32, #tpu.memory_space<vmem>>) target(%dma_start3A_109 : memref<100096xf32, #tpu.memory_space<vmem_shared>>) offsets(%arg22 : memref<4000xi32, #tpu.memory_space<vmem>>) semaphore(%arg55 : memref<!tpu.dma_semaphore, #tpu.memory_space<semaphore_mem>>) {add = true}
      %dma_start3A_110 = arith.constant 0 : i32
      %dma_start3A_111 = tpu.memref_slice %arg19[%dma_start3A_110] : memref<100096xf32, #tpu.memory_space<vmem_shared>> -> memref<100096xf32, #tpu.memory_space<vmem_shared>>
      tpu.enqueue_indirect_dma source(%arg48 : memref<4000xf32, #tpu.memory_space<vmem>>) target(%dma_start3A_111 : memref<100096xf32, #tpu.memory_space<vmem_shared>>) offsets(%arg22 : memref<4000xi32, #tpu.memory_space<vmem>>) semaphore(%arg56 : memref<!tpu.dma_semaphore, #tpu.memory_space<semaphore_mem>>) {add = true}
      %dma_wait3A_112 = arith.constant 0 : i32
      %dma_wait3A_113 = tpu.memref_slice %arg16[%dma_wait3A_112] : memref<100096xf32, #tpu.memory_space<vmem_shared>> -> memref<100096xf32, #tpu.memory_space<vmem_shared>>
      tpu.wait_indirect_dma semaphore(%arg53 : memref<!tpu.dma_semaphore, #tpu.memory_space<semaphore_mem>>) src(%arg45 : memref<4000xf32, #tpu.memory_space<vmem>>) dst(%dma_wait3A_113 : memref<100096xf32, #tpu.memory_space<vmem_shared>>)
      %dma_wait3A_114 = arith.constant 0 : i32
      %dma_wait3A_115 = tpu.memref_slice %arg17[%dma_wait3A_114] : memref<100096xf32, #tpu.memory_space<vmem_shared>> -> memref<100096xf32, #tpu.memory_space<vmem_shared>>
      tpu.wait_indirect_dma semaphore(%arg54 : memref<!tpu.dma_semaphore, #tpu.memory_space<semaphore_mem>>) src(%arg46 : memref<4000xf32, #tpu.memory_space<vmem>>) dst(%dma_wait3A_115 : memref<100096xf32, #tpu.memory_space<vmem_shared>>)
      %dma_wait3A_116 = arith.constant 0 : i32
      %dma_wait3A_117 = tpu.memref_slice %arg18[%dma_wait3A_116] : memref<100096xf32, #tpu.memory_space<vmem_shared>> -> memref<100096xf32, #tpu.memory_space<vmem_shared>>
      tpu.wait_indirect_dma semaphore(%arg55 : memref<!tpu.dma_semaphore, #tpu.memory_space<semaphore_mem>>) src(%arg47 : memref<4000xf32, #tpu.memory_space<vmem>>) dst(%dma_wait3A_117 : memref<100096xf32, #tpu.memory_space<vmem_shared>>)
      %dma_wait3A_118 = arith.constant 0 : i32
      %dma_wait3A_119 = tpu.memref_slice %arg19[%dma_wait3A_118] : memref<100096xf32, #tpu.memory_space<vmem_shared>> -> memref<100096xf32, #tpu.memory_space<vmem_shared>>
      tpu.wait_indirect_dma semaphore(%arg56 : memref<!tpu.dma_semaphore, #tpu.memory_space<semaphore_mem>>) src(%arg48 : memref<4000xf32, #tpu.memory_space<vmem>>) dst(%dma_wait3A_119 : memref<100096xf32, #tpu.memory_space<vmem_shared>>)
      %add3A_120 = arith.constant 2 : i32
      %add3A_121 = arith.addi %add3A_84, %add3A_120 : i32
      %lt3A_122 = arith.constant 50 : i32
      %lt3A_123 = arith.cmpi slt, %add3A_121, %lt3A_122 : i32
      %convert_element_type3A_124 = arith.extui %lt3A_123 : i1 to i32
      %cond3A_125 = arith.constant 0 : i32
      %cond3A_126 = arith.cmpi ne, %convert_element_type3A_124, %cond3A_125 : i32
      scf.if %cond3A_126 {
        %add3A_176 = arith.constant 2 : i32
        %add3A_177 = arith.addi %add3A_84, %add3A_176 : i32
        %mul3A_178 = arith.constant 4000 : i32
        %mul3A_179 = arith.muli %add3A_177, %mul3A_178 : i32
        %add3A_180 = arith.addi %mul3A_29, %mul3A_179 : i32
        %dma_start3A_181 = tpu.memref_slice %arg2[%add3A_180] : memref<6400000xi32, #tpu.memory_space<hbm>> -> memref<4000xi32, #tpu.memory_space<hbm>>
        %dma_start3A_182 = tpu.memref_slice %arg2[%add3A_180] : memref<6400000xi32, #tpu.memory_space<hbm>> -> memref<4000xi32, #tpu.memory_space<hbm>>
        tpu.enqueue_dma source(%dma_start3A_182 : memref<4000xi32, #tpu.memory_space<hbm>>) target(%arg51 : memref<4000xi32, #tpu.memory_space<vmem>>) target_semaphore(%arg43 : memref<!tpu.dma_semaphore, #tpu.memory_space<semaphore_mem>>)
        %dma_start3A_183 = tpu.memref_slice %arg3[%add3A_180] : memref<6400000xi32, #tpu.memory_space<hbm>> -> memref<4000xi32, #tpu.memory_space<hbm>>
        %dma_start3A_184 = tpu.memref_slice %arg3[%add3A_180] : memref<6400000xi32, #tpu.memory_space<hbm>> -> memref<4000xi32, #tpu.memory_space<hbm>>
        tpu.enqueue_dma source(%dma_start3A_184 : memref<4000xi32, #tpu.memory_space<hbm>>) target(%arg22 : memref<4000xi32, #tpu.memory_space<vmem>>) target_semaphore(%arg43 : memref<!tpu.dma_semaphore, #tpu.memory_space<semaphore_mem>>)
        %dma_start3A_185 = tpu.memref_slice %arg4[%add3A_180] : memref<6400000xf32, #tpu.memory_space<hbm>> -> memref<4000xf32, #tpu.memory_space<hbm>>
        %dma_start3A_186 = tpu.memref_slice %arg4[%add3A_180] : memref<6400000xf32, #tpu.memory_space<hbm>> -> memref<4000xf32, #tpu.memory_space<hbm>>
        tpu.enqueue_dma source(%dma_start3A_186 : memref<4000xf32, #tpu.memory_space<hbm>>) target(%arg41 : memref<4000xf32, #tpu.memory_space<vmem>>) target_semaphore(%arg43 : memref<!tpu.dma_semaphore, #tpu.memory_space<semaphore_mem>>)
        %dma_start3A_187 = tpu.memref_slice %arg5[%add3A_180] : memref<6400000xf32, #tpu.memory_space<hbm>> -> memref<4000xf32, #tpu.memory_space<hbm>>
        %dma_start3A_188 = tpu.memref_slice %arg5[%add3A_180] : memref<6400000xf32, #tpu.memory_space<hbm>> -> memref<4000xf32, #tpu.memory_space<hbm>>
        tpu.enqueue_dma source(%dma_start3A_188 : memref<4000xf32, #tpu.memory_space<hbm>>) target(%arg20 : memref<4000xf32, #tpu.memory_space<vmem>>) target_semaphore(%arg43 : memref<!tpu.dma_semaphore, #tpu.memory_space<semaphore_mem>>)
      } else {
      }
      %mul3A_127 = arith.constant 2 : i32
      %mul3A_128 = arith.muli %scan3A_80, %mul3A_127 : i32
      %add3A_129 = arith.constant 1 : i32
      %add3A_130 = arith.addi %mul3A_128, %add3A_129 : i32
      %dma_wait3A_131 = arith.constant 0 : i32
      %dma_wait3A_132 = tpu.memref_slice %arg58[%dma_wait3A_131] : memref<100096xf32, #tpu.memory_space<vmem_shared>> -> memref<100096xf32, #tpu.memory_space<vmem_shared>>
      tpu.wait_indirect_dma semaphore(%arg34 : memref<!tpu.dma_semaphore, #tpu.memory_space<semaphore_mem>>) src(%dma_wait3A_132 : memref<100096xf32, #tpu.memory_space<vmem_shared>>) dst(%arg27 : memref<4000xf32, #tpu.memory_space<vmem>>)
      %dma_wait3A_133 = arith.constant 0 : i32
      %dma_wait3A_134 = tpu.memref_slice %arg59[%dma_wait3A_133] : memref<100096xf32, #tpu.memory_space<vmem_shared>> -> memref<100096xf32, #tpu.memory_space<vmem_shared>>
      tpu.wait_indirect_dma semaphore(%arg36 : memref<!tpu.dma_semaphore, #tpu.memory_space<semaphore_mem>>) src(%dma_wait3A_134 : memref<100096xf32, #tpu.memory_space<vmem_shared>>) dst(%arg32 : memref<4000xf32, #tpu.memory_space<vmem>>)
      %dma_wait3A_135 = arith.constant 0 : i32
      %dma_wait3A_136 = tpu.memref_slice %arg58[%dma_wait3A_135] : memref<100096xf32, #tpu.memory_space<vmem_shared>> -> memref<100096xf32, #tpu.memory_space<vmem_shared>>
      tpu.wait_indirect_dma semaphore(%arg38 : memref<!tpu.dma_semaphore, #tpu.memory_space<semaphore_mem>>) src(%dma_wait3A_136 : memref<100096xf32, #tpu.memory_space<vmem_shared>>) dst(%arg25 : memref<4000xf32, #tpu.memory_space<vmem>>)
      %dma_wait3A_137 = arith.constant 0 : i32
      %dma_wait3A_138 = tpu.memref_slice %arg59[%dma_wait3A_137] : memref<100096xf32, #tpu.memory_space<vmem_shared>> -> memref<100096xf32, #tpu.memory_space<vmem_shared>>
      tpu.wait_indirect_dma semaphore(%arg40 : memref<!tpu.dma_semaphore, #tpu.memory_space<semaphore_mem>>) src(%dma_wait3A_138 : memref<100096xf32, #tpu.memory_space<vmem_shared>>) dst(%arg29 : memref<4000xf32, #tpu.memory_space<vmem>>)
      %scan3A_139 = arith.constant 0 : i32
      %scan3A_140 = arith.constant 0 : i32
      %scan3A_141 = arith.constant 250 : i32
      %scan3A_142 = arith.addi %scan3A_140, %scan3A_141 : i32
      %scan3A_143 = arith.constant 1 : i32
      %scan3A_144 = scf.for %scan3A_176 = %scan3A_140 to %scan3A_142 step %scan3A_143 iter_args(%scan3A_177 = %scan3A_139) -> (i32)  : i32 {
        %mul3A_178 = arith.constant 16 : i32
        %mul3A_179 = arith.muli %scan3A_176, %mul3A_178 : i32
        %get3A_180 = arith.index_cast %mul3A_179 : i32 to index
        %get3A_181 = tpu.vector_load %arg52[%get3A_180] {strides = array<i32>} : memref<4000xi32, #tpu.memory_space<vmem>>, vector<16xi32>,
        %get3A_182 = arith.index_cast %mul3A_179 : i32 to index
        %get3A_183 = tpu.vector_load %arg23[%get3A_182] {strides = array<i32>} : memref<4000xi32, #tpu.memory_space<vmem>>, vector<16xi32>,
        %get3A_184 = arith.index_cast %mul3A_179 : i32 to index
        %get3A_185 = tpu.vector_load %arg27[%get3A_184] {strides = array<i32>} : memref<4000xf32, #tpu.memory_space<vmem>>, vector<16xf32>,
        %get3A_186 = arith.index_cast %mul3A_179 : i32 to index
        %get3A_187 = tpu.vector_load %arg32[%get3A_186] {strides = array<i32>} : memref<4000xf32, #tpu.memory_space<vmem>>, vector<16xf32>,
        %get3A_188 = arith.index_cast %mul3A_179 : i32 to index
        %get3A_189 = tpu.vector_load %arg25[%get3A_188] {strides = array<i32>} : memref<4000xf32, #tpu.memory_space<vmem>>, vector<16xf32>,
        %get3A_190 = arith.index_cast %mul3A_179 : i32 to index
        %get3A_191 = tpu.vector_load %arg29[%get3A_190] {strides = array<i32>} : memref<4000xf32, #tpu.memory_space<vmem>>, vector<16xf32>,
        %get3A_192 = arith.index_cast %mul3A_179 : i32 to index
        %get3A_193 = tpu.vector_load %arg42[%get3A_192] {strides = array<i32>} : memref<4000xf32, #tpu.memory_space<vmem>>, vector<16xf32>,
        %mul3A_194 = arith.mulf %get3A_193, %get3A_13 : vector<16xf32>
        %add3A_195 = arith.addf %mul3A_194, %get3A_21 : vector<16xf32>
        %get3A_196 = arith.index_cast %mul3A_179 : i32 to index
        %get3A_197 = tpu.vector_load %arg21[%get3A_196] {strides = array<i32>} : memref<4000xf32, #tpu.memory_space<vmem>>, vector<16xf32>,
        %mul3A_198 = arith.mulf %get3A_197, %get3A_17 : vector<16xf32>
        %add3A_199 = arith.addf %mul3A_198, %get3A_25 : vector<16xf32>
        %mul3A_200 = arith.mulf %get3A_185, %get3A_189 : vector<16xf32>
        %mul3A_201 = arith.mulf %get3A_187, %get3A_191 : vector<16xf32>
        %add3A_202 = arith.addf %mul3A_200, %mul3A_201 : vector<16xf32>
        %mul3A_203 = arith.mulf %get3A_187, %get3A_189 : vector<16xf32>
        %mul3A_204 = arith.mulf %get3A_185, %get3A_191 : vector<16xf32>
        %sub3A = arith.subf %mul3A_203, %mul3A_204 : vector<16xf32>
        %mul3A_205 = arith.mulf %get3A_185, %get3A_185 : vector<16xf32>
        %mul3A_206 = arith.mulf %get3A_187, %get3A_187 : vector<16xf32>
        %add3A_207 = arith.addf %mul3A_205, %mul3A_206 : vector<16xf32>
        %sub3A_208 = arith.subf %add3A_207, %add3A_202 : vector<16xf32>
        %mul3A_209 = arith.mulf %get3A_189, %get3A_189 : vector<16xf32>
        %mul3A_210 = arith.mulf %get3A_191, %get3A_191 : vector<16xf32>
        %add3A_211 = arith.addf %mul3A_209, %mul3A_210 : vector<16xf32>
        %sub3A_212 = arith.subf %add3A_211, %add3A_202 : vector<16xf32>
        %mul3A_213 = arith.mulf %add3A_195, %sub3A : vector<16xf32>
        %mul3A_214 = arith.mulf %add3A_199, %sub3A : vector<16xf32>
        %mul3A_215 = arith.mulf %add3A_195, %sub3A_208 : vector<16xf32>
        %sub3A_216 = arith.subf %mul3A_215, %mul3A_214 : vector<16xf32>
        %swap3A_217 = arith.index_cast %mul3A_179 : i32 to index
        %swap3A_218 = tpu.vector_load %arg45[%swap3A_217] {strides = array<i32>} : memref<4000xf32, #tpu.memory_space<vmem>>, vector<16xf32>,
        tpu.vector_store %arg45[%swap3A_217], %sub3A_216 {strides = array<i32>} : memref<4000xf32, #tpu.memory_space<vmem>>, vector<16xf32>,
        %mul3A_219 = arith.mulf %add3A_199, %sub3A_208 : vector<16xf32>
        %neg3A = arith.constant 0.000000e+00 : f32
        %neg3A_220 = vector.broadcast %neg3A : f32 to vector<16xf32>
        %neg3A_221 = arith.subf %neg3A_220, %mul3A_219 : vector<16xf32>
        %sub3A_222 = arith.subf %neg3A_221, %mul3A_213 : vector<16xf32>
        %swap3A_223 = arith.index_cast %mul3A_179 : i32 to index
        %swap3A_224 = tpu.vector_load %arg46[%swap3A_223] {strides = array<i32>} : memref<4000xf32, #tpu.memory_space<vmem>>, vector<16xf32>,
        tpu.vector_store %arg46[%swap3A_223], %sub3A_222 {strides = array<i32>} : memref<4000xf32, #tpu.memory_space<vmem>>, vector<16xf32>,
        %mul3A_225 = arith.mulf %add3A_195, %sub3A_212 : vector<16xf32>
        %add3A_226 = arith.addf %mul3A_225, %mul3A_214 : vector<16xf32>
        %swap3A_227 = arith.index_cast %mul3A_179 : i32 to index
        %swap3A_228 = tpu.vector_load %arg47[%swap3A_227] {strides = array<i32>} : memref<4000xf32, #tpu.memory_space<vmem>>, vector<16xf32>,
        tpu.vector_store %arg47[%swap3A_227], %add3A_226 {strides = array<i32>} : memref<4000xf32, #tpu.memory_space<vmem>>, vector<16xf32>,
        %mul3A_229 = arith.mulf %add3A_199, %sub3A_212 : vector<16xf32>
        %neg3A_230 = arith.constant 0.000000e+00 : f32
        %neg3A_231 = vector.broadcast %neg3A_230 : f32 to vector<16xf32>
        %neg3A_232 = arith.subf %neg3A_231, %mul3A_229 : vector<16xf32>
        %add3A_233 = arith.addf %neg3A_232, %mul3A_213 : vector<16xf32>
        %swap3A_234 = arith.index_cast %mul3A_179 : i32 to index
        %swap3A_235 = tpu.vector_load %arg48[%swap3A_234] {strides = array<i32>} : memref<4000xf32, #tpu.memory_space<vmem>>, vector<16xf32>,
        tpu.vector_store %arg48[%swap3A_234], %add3A_233 {strides = array<i32>} : memref<4000xf32, #tpu.memory_space<vmem>>, vector<16xf32>,
        %eq3A = arith.cmpi eq, %get3A_181, %get3A_9 : vector<16xi32>
        %eq3A_236 = arith.cmpi eq, %get3A_183, %get3A_5 : vector<16xi32>
        %and3A = arith.andi %eq3A, %eq3A_236 : vector<16xi1>
        %get3A_237 = arith.constant 0 : index
        %get3A_238 = tpu.vector_load %arg30[%get3A_237] {strides = array<i32>} : memref<16xi32, #tpu.memory_space<vmem>>, vector<16xi32>,
        %convert_element_type3A_239 = arith.extui %and3A : vector<16xi1> to vector<16xi32>
        %or3A = arith.ori %get3A_238, %convert_element_type3A_239 : vector<16xi32>
        %swap3A_240 = arith.constant 0 : index
        %swap3A_241 = tpu.vector_load %arg30[%swap3A_240] {strides = array<i32>} : memref<16xi32, #tpu.memory_space<vmem>>, vector<16xi32>,
        tpu.vector_store %arg30[%swap3A_240], %or3A {strides = array<i32>} : memref<16xi32, #tpu.memory_space<vmem>>, vector<16xi32>,
        %scan3A_242 = arith.constant 0 : i32
        scf.yield %scan3A_242 : i32
      }
      %scan3A_145 = arith.constant 250 : i32
      %add3A_146 = arith.constant 1 : i32
      %add3A_147 = arith.addi %add3A_130, %add3A_146 : i32
      %lt3A_148 = arith.constant 50 : i32
      %lt3A_149 = arith.cmpi slt, %add3A_147, %lt3A_148 : i32
      %convert_element_type3A_150 = arith.extui %lt3A_149 : i1 to i32
      %cond3A_151 = arith.constant 0 : i32
      %cond3A_152 = arith.cmpi ne, %convert_element_type3A_150, %cond3A_151 : i32
      scf.if %cond3A_152 {
        %add3A_176 = arith.constant 1 : i32
        %add3A_177 = arith.addi %add3A_130, %add3A_176 : i32
        %mul3A_178 = arith.constant 4000 : i32
        %mul3A_179 = arith.muli %add3A_177, %mul3A_178 : i32
        %add3A_180 = arith.addi %mul3A_29, %mul3A_179 : i32
        %dma_wait3A_181 = tpu.memref_slice %arg2[%add3A_180] : memref<6400000xi32, #tpu.memory_space<hbm>> -> memref<4000xi32, #tpu.memory_space<hbm>>
        %dma_wait3A_182 = tpu.memref_slice %arg2[%add3A_180] : memref<6400000xi32, #tpu.memory_space<hbm>> -> memref<4000xi32, #tpu.memory_space<hbm>>
        tpu.wait_dma2 semaphore(%arg43 : memref<!tpu.dma_semaphore, #tpu.memory_space<semaphore_mem>>) src(%dma_wait3A_182 : memref<4000xi32, #tpu.memory_space<hbm>>) dst(%arg51 : memref<4000xi32, #tpu.memory_space<vmem>>)
        %dma_wait3A_183 = tpu.memref_slice %arg3[%add3A_180] : memref<6400000xi32, #tpu.memory_space<hbm>> -> memref<4000xi32, #tpu.memory_space<hbm>>
        %dma_wait3A_184 = tpu.memref_slice %arg3[%add3A_180] : memref<6400000xi32, #tpu.memory_space<hbm>> -> memref<4000xi32, #tpu.memory_space<hbm>>
        tpu.wait_dma2 semaphore(%arg43 : memref<!tpu.dma_semaphore, #tpu.memory_space<semaphore_mem>>) src(%dma_wait3A_184 : memref<4000xi32, #tpu.memory_space<hbm>>) dst(%arg22 : memref<4000xi32, #tpu.memory_space<vmem>>)
        %dma_wait3A_185 = tpu.memref_slice %arg4[%add3A_180] : memref<6400000xf32, #tpu.memory_space<hbm>> -> memref<4000xf32, #tpu.memory_space<hbm>>
        %dma_wait3A_186 = tpu.memref_slice %arg4[%add3A_180] : memref<6400000xf32, #tpu.memory_space<hbm>> -> memref<4000xf32, #tpu.memory_space<hbm>>
        tpu.wait_dma2 semaphore(%arg43 : memref<!tpu.dma_semaphore, #tpu.memory_space<semaphore_mem>>) src(%dma_wait3A_186 : memref<4000xf32, #tpu.memory_space<hbm>>) dst(%arg41 : memref<4000xf32, #tpu.memory_space<vmem>>)
        %dma_wait3A_187 = tpu.memref_slice %arg5[%add3A_180] : memref<6400000xf32, #tpu.memory_space<hbm>> -> memref<4000xf32, #tpu.memory_space<hbm>>
        %dma_wait3A_188 = tpu.memref_slice %arg5[%add3A_180] : memref<6400000xf32, #tpu.memory_space<hbm>> -> memref<4000xf32, #tpu.memory_space<hbm>>
        tpu.wait_dma2 semaphore(%arg43 : memref<!tpu.dma_semaphore, #tpu.memory_space<semaphore_mem>>) src(%dma_wait3A_188 : memref<4000xf32, #tpu.memory_space<hbm>>) dst(%arg20 : memref<4000xf32, #tpu.memory_space<vmem>>)
        %dma_start3A_189 = arith.constant 0 : i32
        %dma_start3A_190 = tpu.memref_slice %arg58[%dma_start3A_189] : memref<100096xf32, #tpu.memory_space<vmem_shared>> -> memref<100096xf32, #tpu.memory_space<vmem_shared>>
        tpu.enqueue_indirect_dma source(%dma_start3A_190 : memref<100096xf32, #tpu.memory_space<vmem_shared>>) target(%arg26 : memref<4000xf32, #tpu.memory_space<vmem>>) offsets(%arg51 : memref<4000xi32, #tpu.memory_space<vmem>>) semaphore(%arg33 : memref<!tpu.dma_semaphore, #tpu.memory_space<semaphore_mem>>)
        %dma_start3A_191 = arith.constant 0 : i32
        %dma_start3A_192 = tpu.memref_slice %arg59[%dma_start3A_191] : memref<100096xf32, #tpu.memory_space<vmem_shared>> -> memref<100096xf32, #tpu.memory_space<vmem_shared>>
        tpu.enqueue_indirect_dma source(%dma_start3A_192 : memref<100096xf32, #tpu.memory_space<vmem_shared>>) target(%arg31 : memref<4000xf32, #tpu.memory_space<vmem>>) offsets(%arg51 : memref<4000xi32, #tpu.memory_space<vmem>>) semaphore(%arg35 : memref<!tpu.dma_semaphore, #tpu.memory_space<semaphore_mem>>)
        %dma_start3A_193 = arith.constant 0 : i32
        %dma_start3A_194 = tpu.memref_slice %arg58[%dma_start3A_193] : memref<100096xf32, #tpu.memory_space<vmem_shared>> -> memref<100096xf32, #tpu.memory_space<vmem_shared>>
        tpu.enqueue_indirect_dma source(%dma_start3A_194 : memref<100096xf32, #tpu.memory_space<vmem_shared>>) target(%arg24 : memref<4000xf32, #tpu.memory_space<vmem>>) offsets(%arg22 : memref<4000xi32, #tpu.memory_space<vmem>>) semaphore(%arg37 : memref<!tpu.dma_semaphore, #tpu.memory_space<semaphore_mem>>)
        %dma_start3A_195 = arith.constant 0 : i32
        %dma_start3A_196 = tpu.memref_slice %arg59[%dma_start3A_195] : memref<100096xf32, #tpu.memory_space<vmem_shared>> -> memref<100096xf32, #tpu.memory_space<vmem_shared>>
        tpu.enqueue_indirect_dma source(%dma_start3A_196 : memref<100096xf32, #tpu.memory_space<vmem_shared>>) target(%arg28 : memref<4000xf32, #tpu.memory_space<vmem>>) offsets(%arg22 : memref<4000xi32, #tpu.memory_space<vmem>>) semaphore(%arg39 : memref<!tpu.dma_semaphore, #tpu.memory_space<semaphore_mem>>)
      } else {
      }
      %dma_start3A_153 = arith.constant 0 : i32
      %dma_start3A_154 = tpu.memref_slice %arg16[%dma_start3A_153] : memref<100096xf32, #tpu.memory_space<vmem_shared>> -> memref<100096xf32, #tpu.memory_space<vmem_shared>>
      tpu.enqueue_indirect_dma source(%arg45 : memref<4000xf32, #tpu.memory_space<vmem>>) target(%dma_start3A_154 : memref<100096xf32, #tpu.memory_space<vmem_shared>>) offsets(%arg52 : memref<4000xi32, #tpu.memory_space<vmem>>) semaphore(%arg53 : memref<!tpu.dma_semaphore, #tpu.memory_space<semaphore_mem>>) {add = true}
      %dma_start3A_155 = arith.constant 0 : i32
      %dma_start3A_156 = tpu.memref_slice %arg17[%dma_start3A_155] : memref<100096xf32, #tpu.memory_space<vmem_shared>> -> memref<100096xf32, #tpu.memory_space<vmem_shared>>
      tpu.enqueue_indirect_dma source(%arg46 : memref<4000xf32, #tpu.memory_space<vmem>>) target(%dma_start3A_156 : memref<100096xf32, #tpu.memory_space<vmem_shared>>) offsets(%arg52 : memref<4000xi32, #tpu.memory_space<vmem>>) semaphore(%arg54 : memref<!tpu.dma_semaphore, #tpu.memory_space<semaphore_mem>>) {add = true}
      %dma_start3A_157 = arith.constant 0 : i32
      %dma_start3A_158 = tpu.memref_slice %arg18[%dma_start3A_157] : memref<100096xf32, #tpu.memory_space<vmem_shared>> -> memref<100096xf32, #tpu.memory_space<vmem_shared>>
      tpu.enqueue_indirect_dma source(%arg47 : memref<4000xf32, #tpu.memory_space<vmem>>) target(%dma_start3A_158 : memref<100096xf32, #tpu.memory_space<vmem_shared>>) offsets(%arg23 : memref<4000xi32, #tpu.memory_space<vmem>>) semaphore(%arg55 : memref<!tpu.dma_semaphore, #tpu.memory_space<semaphore_mem>>) {add = true}
      %dma_start3A_159 = arith.constant 0 : i32
      %dma_start3A_160 = tpu.memref_slice %arg19[%dma_start3A_159] : memref<100096xf32, #tpu.memory_space<vmem_shared>> -> memref<100096xf32, #tpu.memory_space<vmem_shared>>
      tpu.enqueue_indirect_dma source(%arg48 : memref<4000xf32, #tpu.memory_space<vmem>>) target(%dma_start3A_160 : memref<100096xf32, #tpu.memory_space<vmem_shared>>) offsets(%arg23 : memref<4000xi32, #tpu.memory_space<vmem>>) semaphore(%arg56 : memref<!tpu.dma_semaphore, #tpu.memory_space<semaphore_mem>>) {add = true}
      %dma_wait3A_161 = arith.constant 0 : i32
      %dma_wait3A_162 = tpu.memref_slice %arg16[%dma_wait3A_161] : memref<100096xf32, #tpu.memory_space<vmem_shared>> -> memref<100096xf32, #tpu.memory_space<vmem_shared>>
      tpu.wait_indirect_dma semaphore(%arg53 : memref<!tpu.dma_semaphore, #tpu.memory_space<semaphore_mem>>) src(%arg45 : memref<4000xf32, #tpu.memory_space<vmem>>) dst(%dma_wait3A_162 : memref<100096xf32, #tpu.memory_space<vmem_shared>>)
      %dma_wait3A_163 = arith.constant 0 : i32
      %dma_wait3A_164 = tpu.memref_slice %arg17[%dma_wait3A_163] : memref<100096xf32, #tpu.memory_space<vmem_shared>> -> memref<100096xf32, #tpu.memory_space<vmem_shared>>
      tpu.wait_indirect_dma semaphore(%arg54 : memref<!tpu.dma_semaphore, #tpu.memory_space<semaphore_mem>>) src(%arg46 : memref<4000xf32, #tpu.memory_space<vmem>>) dst(%dma_wait3A_164 : memref<100096xf32, #tpu.memory_space<vmem_shared>>)
      %dma_wait3A_165 = arith.constant 0 : i32
      %dma_wait3A_166 = tpu.memref_slice %arg18[%dma_wait3A_165] : memref<100096xf32, #tpu.memory_space<vmem_shared>> -> memref<100096xf32, #tpu.memory_space<vmem_shared>>
      tpu.wait_indirect_dma semaphore(%arg55 : memref<!tpu.dma_semaphore, #tpu.memory_space<semaphore_mem>>) src(%arg47 : memref<4000xf32, #tpu.memory_space<vmem>>) dst(%dma_wait3A_166 : memref<100096xf32, #tpu.memory_space<vmem_shared>>)
      %dma_wait3A_167 = arith.constant 0 : i32
      %dma_wait3A_168 = tpu.memref_slice %arg19[%dma_wait3A_167] : memref<100096xf32, #tpu.memory_space<vmem_shared>> -> memref<100096xf32, #tpu.memory_space<vmem_shared>>
      tpu.wait_indirect_dma semaphore(%arg56 : memref<!tpu.dma_semaphore, #tpu.memory_space<semaphore_mem>>) src(%arg48 : memref<4000xf32, #tpu.memory_space<vmem>>) dst(%dma_wait3A_168 : memref<100096xf32, #tpu.memory_space<vmem_shared>>)
      %add3A_169 = arith.constant 2 : i32
      %add3A_170 = arith.addi %add3A_130, %add3A_169 : i32
      %lt3A_171 = arith.constant 50 : i32
      %lt3A_172 = arith.cmpi slt, %add3A_170, %lt3A_171 : i32
      %convert_element_type3A_173 = arith.extui %lt3A_172 : i1 to i32
      %cond3A_174 = arith.constant 0 : i32
      %cond3A_175 = arith.cmpi ne, %convert_element_type3A_173, %cond3A_174 : i32
      scf.if %cond3A_175 {
        %add3A_176 = arith.constant 2 : i32
        %add3A_177 = arith.addi %add3A_130, %add3A_176 : i32
        %mul3A_178 = arith.constant 4000 : i32
        %mul3A_179 = arith.muli %add3A_177, %mul3A_178 : i32
        %add3A_180 = arith.addi %mul3A_29, %mul3A_179 : i32
        %dma_start3A_181 = tpu.memref_slice %arg2[%add3A_180] : memref<6400000xi32, #tpu.memory_space<hbm>> -> memref<4000xi32, #tpu.memory_space<hbm>>
        %dma_start3A_182 = tpu.memref_slice %arg2[%add3A_180] : memref<6400000xi32, #tpu.memory_space<hbm>> -> memref<4000xi32, #tpu.memory_space<hbm>>
        tpu.enqueue_dma source(%dma_start3A_182 : memref<4000xi32, #tpu.memory_space<hbm>>) target(%arg52 : memref<4000xi32, #tpu.memory_space<vmem>>) target_semaphore(%arg44 : memref<!tpu.dma_semaphore, #tpu.memory_space<semaphore_mem>>)
        %dma_start3A_183 = tpu.memref_slice %arg3[%add3A_180] : memref<6400000xi32, #tpu.memory_space<hbm>> -> memref<4000xi32, #tpu.memory_space<hbm>>
        %dma_start3A_184 = tpu.memref_slice %arg3[%add3A_180] : memref<6400000xi32, #tpu.memory_space<hbm>> -> memref<4000xi32, #tpu.memory_space<hbm>>
        tpu.enqueue_dma source(%dma_start3A_184 : memref<4000xi32, #tpu.memory_space<hbm>>) target(%arg23 : memref<4000xi32, #tpu.memory_space<vmem>>) target_semaphore(%arg44 : memref<!tpu.dma_semaphore, #tpu.memory_space<semaphore_mem>>)
        %dma_start3A_185 = tpu.memref_slice %arg4[%add3A_180] : memref<6400000xf32, #tpu.memory_space<hbm>> -> memref<4000xf32, #tpu.memory_space<hbm>>
        %dma_start3A_186 = tpu.memref_slice %arg4[%add3A_180] : memref<6400000xf32, #tpu.memory_space<hbm>> -> memref<4000xf32, #tpu.memory_space<hbm>>
        tpu.enqueue_dma source(%dma_start3A_186 : memref<4000xf32, #tpu.memory_space<hbm>>) target(%arg42 : memref<4000xf32, #tpu.memory_space<vmem>>) target_semaphore(%arg44 : memref<!tpu.dma_semaphore, #tpu.memory_space<semaphore_mem>>)
        %dma_start3A_187 = tpu.memref_slice %arg5[%add3A_180] : memref<6400000xf32, #tpu.memory_space<hbm>> -> memref<4000xf32, #tpu.memory_space<hbm>>
        %dma_start3A_188 = tpu.memref_slice %arg5[%add3A_180] : memref<6400000xf32, #tpu.memory_space<hbm>> -> memref<4000xf32, #tpu.memory_space<hbm>>
        tpu.enqueue_dma source(%dma_start3A_188 : memref<4000xf32, #tpu.memory_space<hbm>>) target(%arg21 : memref<4000xf32, #tpu.memory_space<vmem>>) target_semaphore(%arg44 : memref<!tpu.dma_semaphore, #tpu.memory_space<semaphore_mem>>)
      } else {
      }
    }
    %scan3A_70 = arith.constant 25 : i32
    %barrier3A_71 = arith.constant 0 : index
    tpu.barrier barrier_id(%barrier3A_71)
    %mul3A_72 = arith.constant 100096 : i32
    %mul3A_73 = arith.muli %arg0, %mul3A_72 : i32
    %add3A_74 = arith.addi %mul3A_73, %mul3A_0 : i32
    "tpu.region"() ({
      %run_scoped3A = tpu.sem_alloc : memref<!tpu.dma_semaphore, #tpu.memory_space<semaphore_mem>>
      %dma_start3A_80 = tpu.memref_slice %arg16[%mul3A_0] : memref<100096xf32, #tpu.memory_space<vmem_shared>> -> memref<6256xf32, #tpu.memory_space<vmem_shared>>
      %dma_start3A_81 = tpu.memref_slice %arg16[%mul3A_0] : memref<100096xf32, #tpu.memory_space<vmem_shared>> -> memref<6256xf32, #tpu.memory_space<vmem_shared>>
      tpu.enqueue_dma source(%dma_start3A_81 : memref<6256xf32, #tpu.memory_space<vmem_shared>>) target(%arg57 : memref<6256xf32, #tpu.memory_space<vmem>>) target_semaphore(%run_scoped3A : memref<!tpu.dma_semaphore, #tpu.memory_space<semaphore_mem>>)
      %dma_wait3A_82 = tpu.memref_slice %arg16[%mul3A_0] : memref<100096xf32, #tpu.memory_space<vmem_shared>> -> memref<6256xf32, #tpu.memory_space<vmem_shared>>
      %dma_wait3A_83 = tpu.memref_slice %arg16[%mul3A_0] : memref<100096xf32, #tpu.memory_space<vmem_shared>> -> memref<6256xf32, #tpu.memory_space<vmem_shared>>
      tpu.wait_dma2 semaphore(%run_scoped3A : memref<!tpu.dma_semaphore, #tpu.memory_space<semaphore_mem>>) src(%dma_wait3A_83 : memref<6256xf32, #tpu.memory_space<vmem_shared>>) dst(%arg57 : memref<6256xf32, #tpu.memory_space<vmem>>)
      tpu.yield
    }) : () -> ()
    "tpu.region"() ({
      %run_scoped3A = tpu.sem_alloc : memref<!tpu.dma_semaphore, #tpu.memory_space<semaphore_mem>>
      %dma_start3A_80 = tpu.memref_slice %arg11[%add3A_74] : memref<200192xf32, #tpu.memory_space<hbm>> -> memref<6256xf32, #tpu.memory_space<hbm>>
      %dma_start3A_81 = tpu.memref_slice %arg11[%add3A_74] : memref<200192xf32, #tpu.memory_space<hbm>> -> memref<6256xf32, #tpu.memory_space<hbm>>
      tpu.enqueue_dma source(%arg57 : memref<6256xf32, #tpu.memory_space<vmem>>) target(%dma_start3A_81 : memref<6256xf32, #tpu.memory_space<hbm>>) target_semaphore(%run_scoped3A : memref<!tpu.dma_semaphore, #tpu.memory_space<semaphore_mem>>)
      %dma_wait3A_82 = tpu.memref_slice %arg11[%add3A_74] : memref<200192xf32, #tpu.memory_space<hbm>> -> memref<6256xf32, #tpu.memory_space<hbm>>
      %dma_wait3A_83 = tpu.memref_slice %arg11[%add3A_74] : memref<200192xf32, #tpu.memory_space<hbm>> -> memref<6256xf32, #tpu.memory_space<hbm>>
      tpu.wait_dma2 semaphore(%run_scoped3A : memref<!tpu.dma_semaphore, #tpu.memory_space<semaphore_mem>>) src(%arg57 : memref<6256xf32, #tpu.memory_space<vmem>>) dst(%dma_wait3A_83 : memref<6256xf32, #tpu.memory_space<hbm>>)
      tpu.yield
    }) : () -> ()
    "tpu.region"() ({
      %run_scoped3A = tpu.sem_alloc : memref<!tpu.dma_semaphore, #tpu.memory_space<semaphore_mem>>
      %dma_start3A_80 = tpu.memref_slice %arg17[%mul3A_0] : memref<100096xf32, #tpu.memory_space<vmem_shared>> -> memref<6256xf32, #tpu.memory_space<vmem_shared>>
      %dma_start3A_81 = tpu.memref_slice %arg17[%mul3A_0] : memref<100096xf32, #tpu.memory_space<vmem_shared>> -> memref<6256xf32, #tpu.memory_space<vmem_shared>>
      tpu.enqueue_dma source(%dma_start3A_81 : memref<6256xf32, #tpu.memory_space<vmem_shared>>) target(%arg57 : memref<6256xf32, #tpu.memory_space<vmem>>) target_semaphore(%run_scoped3A : memref<!tpu.dma_semaphore, #tpu.memory_space<semaphore_mem>>)
      %dma_wait3A_82 = tpu.memref_slice %arg17[%mul3A_0] : memref<100096xf32, #tpu.memory_space<vmem_shared>> -> memref<6256xf32, #tpu.memory_space<vmem_shared>>
      %dma_wait3A_83 = tpu.memref_slice %arg17[%mul3A_0] : memref<100096xf32, #tpu.memory_space<vmem_shared>> -> memref<6256xf32, #tpu.memory_space<vmem_shared>>
      tpu.wait_dma2 semaphore(%run_scoped3A : memref<!tpu.dma_semaphore, #tpu.memory_space<semaphore_mem>>) src(%dma_wait3A_83 : memref<6256xf32, #tpu.memory_space<vmem_shared>>) dst(%arg57 : memref<6256xf32, #tpu.memory_space<vmem>>)
      tpu.yield
    }) : () -> ()
    "tpu.region"() ({
      %run_scoped3A = tpu.sem_alloc : memref<!tpu.dma_semaphore, #tpu.memory_space<semaphore_mem>>
      %dma_start3A_80 = tpu.memref_slice %arg12[%add3A_74] : memref<200192xf32, #tpu.memory_space<hbm>> -> memref<6256xf32, #tpu.memory_space<hbm>>
      %dma_start3A_81 = tpu.memref_slice %arg12[%add3A_74] : memref<200192xf32, #tpu.memory_space<hbm>> -> memref<6256xf32, #tpu.memory_space<hbm>>
      tpu.enqueue_dma source(%arg57 : memref<6256xf32, #tpu.memory_space<vmem>>) target(%dma_start3A_81 : memref<6256xf32, #tpu.memory_space<hbm>>) target_semaphore(%run_scoped3A : memref<!tpu.dma_semaphore, #tpu.memory_space<semaphore_mem>>)
      %dma_wait3A_82 = tpu.memref_slice %arg12[%add3A_74] : memref<200192xf32, #tpu.memory_space<hbm>> -> memref<6256xf32, #tpu.memory_space<hbm>>
      %dma_wait3A_83 = tpu.memref_slice %arg12[%add3A_74] : memref<200192xf32, #tpu.memory_space<hbm>> -> memref<6256xf32, #tpu.memory_space<hbm>>
      tpu.wait_dma2 semaphore(%run_scoped3A : memref<!tpu.dma_semaphore, #tpu.memory_space<semaphore_mem>>) src(%arg57 : memref<6256xf32, #tpu.memory_space<vmem>>) dst(%dma_wait3A_83 : memref<6256xf32, #tpu.memory_space<hbm>>)
      tpu.yield
    }) : () -> ()
    "tpu.region"() ({
      %run_scoped3A = tpu.sem_alloc : memref<!tpu.dma_semaphore, #tpu.memory_space<semaphore_mem>>
      %dma_start3A_80 = tpu.memref_slice %arg18[%mul3A_0] : memref<100096xf32, #tpu.memory_space<vmem_shared>> -> memref<6256xf32, #tpu.memory_space<vmem_shared>>
      %dma_start3A_81 = tpu.memref_slice %arg18[%mul3A_0] : memref<100096xf32, #tpu.memory_space<vmem_shared>> -> memref<6256xf32, #tpu.memory_space<vmem_shared>>
      tpu.enqueue_dma source(%dma_start3A_81 : memref<6256xf32, #tpu.memory_space<vmem_shared>>) target(%arg57 : memref<6256xf32, #tpu.memory_space<vmem>>) target_semaphore(%run_scoped3A : memref<!tpu.dma_semaphore, #tpu.memory_space<semaphore_mem>>)
      %dma_wait3A_82 = tpu.memref_slice %arg18[%mul3A_0] : memref<100096xf32, #tpu.memory_space<vmem_shared>> -> memref<6256xf32, #tpu.memory_space<vmem_shared>>
      %dma_wait3A_83 = tpu.memref_slice %arg18[%mul3A_0] : memref<100096xf32, #tpu.memory_space<vmem_shared>> -> memref<6256xf32, #tpu.memory_space<vmem_shared>>
      tpu.wait_dma2 semaphore(%run_scoped3A : memref<!tpu.dma_semaphore, #tpu.memory_space<semaphore_mem>>) src(%dma_wait3A_83 : memref<6256xf32, #tpu.memory_space<vmem_shared>>) dst(%arg57 : memref<6256xf32, #tpu.memory_space<vmem>>)
      tpu.yield
    }) : () -> ()
    "tpu.region"() ({
      %run_scoped3A = tpu.sem_alloc : memref<!tpu.dma_semaphore, #tpu.memory_space<semaphore_mem>>
      %dma_start3A_80 = tpu.memref_slice %arg13[%add3A_74] : memref<200192xf32, #tpu.memory_space<hbm>> -> memref<6256xf32, #tpu.memory_space<hbm>>
      %dma_start3A_81 = tpu.memref_slice %arg13[%add3A_74] : memref<200192xf32, #tpu.memory_space<hbm>> -> memref<6256xf32, #tpu.memory_space<hbm>>
      tpu.enqueue_dma source(%arg57 : memref<6256xf32, #tpu.memory_space<vmem>>) target(%dma_start3A_81 : memref<6256xf32, #tpu.memory_space<hbm>>) target_semaphore(%run_scoped3A : memref<!tpu.dma_semaphore, #tpu.memory_space<semaphore_mem>>)
      %dma_wait3A_82 = tpu.memref_slice %arg13[%add3A_74] : memref<200192xf32, #tpu.memory_space<hbm>> -> memref<6256xf32, #tpu.memory_space<hbm>>
      %dma_wait3A_83 = tpu.memref_slice %arg13[%add3A_74] : memref<200192xf32, #tpu.memory_space<hbm>> -> memref<6256xf32, #tpu.memory_space<hbm>>
      tpu.wait_dma2 semaphore(%run_scoped3A : memref<!tpu.dma_semaphore, #tpu.memory_space<semaphore_mem>>) src(%arg57 : memref<6256xf32, #tpu.memory_space<vmem>>) dst(%dma_wait3A_83 : memref<6256xf32, #tpu.memory_space<hbm>>)
      tpu.yield
    }) : () -> ()
    "tpu.region"() ({
      %run_scoped3A = tpu.sem_alloc : memref<!tpu.dma_semaphore, #tpu.memory_space<semaphore_mem>>
      %dma_start3A_80 = tpu.memref_slice %arg19[%mul3A_0] : memref<100096xf32, #tpu.memory_space<vmem_shared>> -> memref<6256xf32, #tpu.memory_space<vmem_shared>>
      %dma_start3A_81 = tpu.memref_slice %arg19[%mul3A_0] : memref<100096xf32, #tpu.memory_space<vmem_shared>> -> memref<6256xf32, #tpu.memory_space<vmem_shared>>
      tpu.enqueue_dma source(%dma_start3A_81 : memref<6256xf32, #tpu.memory_space<vmem_shared>>) target(%arg57 : memref<6256xf32, #tpu.memory_space<vmem>>) target_semaphore(%run_scoped3A : memref<!tpu.dma_semaphore, #tpu.memory_space<semaphore_mem>>)
      %dma_wait3A_82 = tpu.memref_slice %arg19[%mul3A_0] : memref<100096xf32, #tpu.memory_space<vmem_shared>> -> memref<6256xf32, #tpu.memory_space<vmem_shared>>
      %dma_wait3A_83 = tpu.memref_slice %arg19[%mul3A_0] : memref<100096xf32, #tpu.memory_space<vmem_shared>> -> memref<6256xf32, #tpu.memory_space<vmem_shared>>
      tpu.wait_dma2 semaphore(%run_scoped3A : memref<!tpu.dma_semaphore, #tpu.memory_space<semaphore_mem>>) src(%dma_wait3A_83 : memref<6256xf32, #tpu.memory_space<vmem_shared>>) dst(%arg57 : memref<6256xf32, #tpu.memory_space<vmem>>)
      tpu.yield
    }) : () -> ()
    "tpu.region"() ({
      %run_scoped3A = tpu.sem_alloc : memref<!tpu.dma_semaphore, #tpu.memory_space<semaphore_mem>>
      %dma_start3A_80 = tpu.memref_slice %arg14[%add3A_74] : memref<200192xf32, #tpu.memory_space<hbm>> -> memref<6256xf32, #tpu.memory_space<hbm>>
      %dma_start3A_81 = tpu.memref_slice %arg14[%add3A_74] : memref<200192xf32, #tpu.memory_space<hbm>> -> memref<6256xf32, #tpu.memory_space<hbm>>
      tpu.enqueue_dma source(%arg57 : memref<6256xf32, #tpu.memory_space<vmem>>) target(%dma_start3A_81 : memref<6256xf32, #tpu.memory_space<hbm>>) target_semaphore(%run_scoped3A : memref<!tpu.dma_semaphore, #tpu.memory_space<semaphore_mem>>)
      %dma_wait3A_82 = tpu.memref_slice %arg14[%add3A_74] : memref<200192xf32, #tpu.memory_space<hbm>> -> memref<6256xf32, #tpu.memory_space<hbm>>
      %dma_wait3A_83 = tpu.memref_slice %arg14[%add3A_74] : memref<200192xf32, #tpu.memory_space<hbm>> -> memref<6256xf32, #tpu.memory_space<hbm>>
      tpu.wait_dma2 semaphore(%run_scoped3A : memref<!tpu.dma_semaphore, #tpu.memory_space<semaphore_mem>>) src(%arg57 : memref<6256xf32, #tpu.memory_space<vmem>>) dst(%dma_wait3A_83 : memref<6256xf32, #tpu.memory_space<hbm>>)
      tpu.yield
    }) : () -> ()
    %mul3A_75 = arith.constant 16 : i32
    %mul3A_76 = arith.muli %arg0, %mul3A_75 : i32
    %add3A_77 = arith.addi %mul3A_76, %arg1 : i32
    %mul3A_78 = arith.constant 16 : i32
    %mul3A_79 = arith.muli %add3A_77, %mul3A_78 : i32
    "tpu.region"() ({
      %run_scoped3A = tpu.sem_alloc : memref<!tpu.dma_semaphore, #tpu.memory_space<semaphore_mem>>
      %dma_start3A_80 = tpu.memref_slice %arg15[%mul3A_79] : memref<512xi32, #tpu.memory_space<hbm>> -> memref<16xi32, #tpu.memory_space<hbm>>
      %dma_start3A_81 = tpu.memref_slice %arg15[%mul3A_79] : memref<512xi32, #tpu.memory_space<hbm>> -> memref<16xi32, #tpu.memory_space<hbm>>
      tpu.enqueue_dma source(%arg30 : memref<16xi32, #tpu.memory_space<vmem>>) target(%dma_start3A_81 : memref<16xi32, #tpu.memory_space<hbm>>) target_semaphore(%run_scoped3A : memref<!tpu.dma_semaphore, #tpu.memory_space<semaphore_mem>>)
      %dma_wait3A_82 = tpu.memref_slice %arg15[%mul3A_79] : memref<512xi32, #tpu.memory_space<hbm>> -> memref<16xi32, #tpu.memory_space<hbm>>
      %dma_wait3A_83 = tpu.memref_slice %arg15[%mul3A_79] : memref<512xi32, #tpu.memory_space<hbm>> -> memref<16xi32, #tpu.memory_space<hbm>>
      tpu.wait_dma2 semaphore(%run_scoped3A : memref<!tpu.dma_semaphore, #tpu.memory_space<semaphore_mem>>) src(%arg30 : memref<16xi32, #tpu.memory_space<vmem>>) dst(%dma_wait3A_83 : memref<16xi32, #tpu.memory_space<hbm>>)
      tpu.yield
    }) : () -> ()
    return
  }
}

module attributes {stable_mosaic.version = 14 : i64} {
  func.func @body(%arg0: memref<80x1250xf32, #tpu.memory_space<vmem>>, %arg1: memref<80x1250xf32, #tpu.memory_space<vmem>>, %arg2: memref<80x1250xf32, #tpu.memory_space<vmem>>, %arg3: memref<80x1250xf32, #tpu.memory_space<vmem>>, %arg4: memref<80x1250xf32, #tpu.memory_space<vmem>>, %arg5: memref<80x1250xf32, #tpu.memory_space<vmem>>, %arg6: memref<80x1250xf32, #tpu.memory_space<vmem>>, %arg7: memref<80x1250xf32, #tpu.memory_space<vmem>>, %arg8: memref<80x1250xf32, #tpu.memory_space<vmem>>, %arg9: memref<80x1250xf32, #tpu.memory_space<vmem>>, %arg10: memref<80x1250xf32, #tpu.memory_space<vmem>>, %arg11: memref<80x1250xf32, #tpu.memory_space<vmem>>, %arg12: memref<80x1250xf32, #tpu.memory_space<vmem>>, %arg13: memref<80x1250xf32, #tpu.memory_space<vmem>>, %arg14: memref<80x1250xf32, #tpu.memory_space<vmem>>, %arg15: memref<80x1250xf32, #tpu.memory_space<vmem>>, %arg16: memref<80x1250xi32, #tpu.memory_space<vmem>>, %arg17: memref<80x1250xf32, #tpu.memory_space<vmem>>, %arg18: memref<1x4xf32, #tpu.memory_space<vmem>>, %arg19: memref<1x4xf32, #tpu.memory_space<vmem>>, %arg20: memref<1x1xf32, #tpu.memory_space<vmem>>, %arg21: memref<1x1xf32, #tpu.memory_space<vmem>>, %arg22: memref<1x1xf32, #tpu.memory_space<vmem>>, %arg23: memref<1x1xf32, #tpu.memory_space<vmem>>, %arg24: memref<1x1xf32, #tpu.memory_space<vmem>>, %arg25: memref<1x1xf32, #tpu.memory_space<vmem>>) attributes {dimension_semantics = [], scalar_prefetch = 0 : i64, scratch_operands = 0 : i64, tpu.core_type = #tpu.core_type<tc>} {
    %get3A = arith.constant 0 : index
    %get3A_0 = arith.constant 0 : index
    %get3A_1 = vector.load %arg19[%get3A, %get3A_0] : memref<1x4xf32, #tpu.memory_space<vmem>>, vector<1x4xf32>
    %get3A_2 = arith.constant 0 : index
    %get3A_3 = arith.constant 0 : index
    %get3A_4 = vector.load %arg18[%get3A_2, %get3A_3] : memref<1x4xf32, #tpu.memory_space<vmem>>, vector<1x4xf32>
    %get3A_5 = arith.constant 0 : index
    %get3A_6 = arith.constant 0 : index
    %get3A_7 = vector.load %arg6[%get3A_5, %get3A_6] : memref<80x1250xf32, #tpu.memory_space<vmem>>, vector<80x1250xf32>
    %get3A_8 = arith.constant 0 : index
    %get3A_9 = arith.constant 0 : index
    %get3A_10 = vector.load %arg7[%get3A_8, %get3A_9] : memref<80x1250xf32, #tpu.memory_space<vmem>>, vector<80x1250xf32>
    %get3A_11 = arith.constant 0 : index
    %get3A_12 = arith.constant 0 : index
    %get3A_13 = vector.load %arg0[%get3A_11, %get3A_12] : memref<80x1250xf32, #tpu.memory_space<vmem>>, vector<80x1250xf32>
    %get3A_14 = arith.constant 0 : index
    %get3A_15 = arith.constant 0 : index
    %get3A_16 = vector.load %arg4[%get3A_14, %get3A_15] : memref<80x1250xf32, #tpu.memory_space<vmem>>, vector<80x1250xf32>
    %sub3A = arith.subf %get3A_13, %get3A_16 : vector<80x1250xf32>
    %integer_pow3A = arith.mulf %sub3A, %sub3A : vector<80x1250xf32>
    %mul3A = arith.mulf %integer_pow3A, %get3A_7 : vector<80x1250xf32>
    %get3A_17 = arith.constant 0 : index
    %get3A_18 = arith.constant 0 : index
    %get3A_19 = vector.load %arg1[%get3A_17, %get3A_18] : memref<80x1250xf32, #tpu.memory_space<vmem>>, vector<80x1250xf32>
    %get3A_20 = arith.constant 0 : index
    %get3A_21 = arith.constant 0 : index
    %get3A_22 = vector.load %arg5[%get3A_20, %get3A_21] : memref<80x1250xf32, #tpu.memory_space<vmem>>, vector<80x1250xf32>
    %sub3A_23 = arith.subf %get3A_19, %get3A_22 : vector<80x1250xf32>
    %integer_pow3A_24 = arith.mulf %sub3A_23, %sub3A_23 : vector<80x1250xf32>
    %mul3A_25 = arith.mulf %integer_pow3A_24, %get3A_10 : vector<80x1250xf32>
    %add3A = arith.addf %mul3A, %mul3A_25 : vector<80x1250xf32>
    %reduce_sum3A = vector.shape_cast %add3A : vector<80x1250xf32> to vector<1x80x1250xf32>
    %reduce_sum3A_26 = arith.constant dense<0.000000e+00> : vector<1xf32>
    %reduce_sum3A_27 = vector.multi_reduction <add>, %reduce_sum3A, %reduce_sum3A_26 [1, 2] : vector<1x80x1250xf32> to vector<1xf32>
    %reduce_sum3A_28 = vector.shape_cast %reduce_sum3A_27 : vector<1xf32> to vector<1x1x1xf32>
    %reduce_sum3A_29 = vector.extract %reduce_sum3A_28[0, 0, 0] : f32 from vector<1x1x1xf32>
    %reshape3A = vector.broadcast %reduce_sum3A_29 : f32 to vector<1x1xf32>
    %swap3A = arith.constant 0 : index
    %swap3A_30 = arith.constant 0 : index
    %swap3A_31 = vector.load %arg20[%swap3A, %swap3A_30] : memref<1x1xf32, #tpu.memory_space<vmem>>, vector<1x1xf32>
    tpu.vector_store %arg20[%swap3A, %swap3A_30], %reshape3A {strides = array<i32>} : memref<1x1xf32, #tpu.memory_space<vmem>>, vector<1x1xf32>,
    %reduce_sum3A_32 = vector.shape_cast %get3A_7 : vector<80x1250xf32> to vector<1x80x1250xf32>
    %reduce_sum3A_33 = arith.constant dense<0.000000e+00> : vector<1xf32>
    %reduce_sum3A_34 = vector.multi_reduction <add>, %reduce_sum3A_32, %reduce_sum3A_33 [1, 2] : vector<1x80x1250xf32> to vector<1xf32>
    %reduce_sum3A_35 = vector.shape_cast %reduce_sum3A_34 : vector<1xf32> to vector<1x1x1xf32>
    %reduce_sum3A_36 = vector.extract %reduce_sum3A_35[0, 0, 0] : f32 from vector<1x1x1xf32>
    %reduce_sum3A_37 = vector.shape_cast %get3A_10 : vector<80x1250xf32> to vector<1x80x1250xf32>
    %reduce_sum3A_38 = arith.constant dense<0.000000e+00> : vector<1xf32>
    %reduce_sum3A_39 = vector.multi_reduction <add>, %reduce_sum3A_37, %reduce_sum3A_38 [1, 2] : vector<1x80x1250xf32> to vector<1xf32>
    %reduce_sum3A_40 = vector.shape_cast %reduce_sum3A_39 : vector<1xf32> to vector<1x1x1xf32>
    %reduce_sum3A_41 = vector.extract %reduce_sum3A_40[0, 0, 0] : f32 from vector<1x1x1xf32>
    %add3A_42 = arith.addf %reduce_sum3A_36, %reduce_sum3A_41 : f32
    %reshape3A_43 = vector.broadcast %add3A_42 : f32 to vector<1x1xf32>
    %swap3A_44 = arith.constant 0 : index
    %swap3A_45 = arith.constant 0 : index
    %swap3A_46 = vector.load %arg21[%swap3A_44, %swap3A_45] : memref<1x1xf32, #tpu.memory_space<vmem>>, vector<1x1xf32>
    tpu.vector_store %arg21[%swap3A_44, %swap3A_45], %reshape3A_43 {strides = array<i32>} : memref<1x1xf32, #tpu.memory_space<vmem>>, vector<1x1xf32>,
    %get3A_47 = arith.constant 0 : index
    %get3A_48 = arith.constant 0 : index
    %get3A_49 = vector.load %arg2[%get3A_47, %get3A_48] : memref<80x1250xf32, #tpu.memory_space<vmem>>, vector<80x1250xf32>
    %slice3A = vector.extract_strided_slice %get3A_1 {offsets = [0, 0], sizes = [1, 1], strides = [1, 1]} : vector<1x4xf32> to vector<1x1xf32>
    %add3A_50 = arith.constant 1.000000e-07 : f32
    %add3A_51 = vector.broadcast %add3A_50 : f32 to vector<1x1xf32>
    %add3A_52 = arith.addf %slice3A, %add3A_51 : vector<1x1xf32>
    %mul3A_53 = vector.broadcast %add3A_52 : vector<1x1xf32> to vector<80x1250xf32>
    %mul3A_54 = arith.mulf %get3A_49, %mul3A_53 : vector<80x1250xf32>
    %slice3A_55 = vector.extract_strided_slice %get3A_4 {offsets = [0, 0], sizes = [1, 1], strides = [1, 1]} : vector<1x4xf32> to vector<1x1xf32>
    %add3A_56 = vector.broadcast %slice3A_55 : vector<1x1xf32> to vector<80x1250xf32>
    %add3A_57 = arith.addf %mul3A_54, %add3A_56 : vector<80x1250xf32>
    %get3A_58 = arith.constant 0 : index
    %get3A_59 = arith.constant 0 : index
    %get3A_60 = vector.load %arg8[%get3A_58, %get3A_59] : memref<80x1250xf32, #tpu.memory_space<vmem>>, vector<80x1250xf32>
    %add3A_61 = arith.addf %add3A_57, %get3A_60 : vector<80x1250xf32>
    %get3A_62 = arith.constant 0 : index
    %get3A_63 = arith.constant 0 : index
    %get3A_64 = vector.load %arg10[%get3A_62, %get3A_63] : memref<80x1250xf32, #tpu.memory_space<vmem>>, vector<80x1250xf32>
    %add3A_65 = arith.addf %add3A_61, %get3A_64 : vector<80x1250xf32>
    %get3A_66 = arith.constant 0 : index
    %get3A_67 = arith.constant 0 : index
    %get3A_68 = vector.load %arg3[%get3A_66, %get3A_67] : memref<80x1250xf32, #tpu.memory_space<vmem>>, vector<80x1250xf32>
    %slice3A_69 = vector.extract_strided_slice %get3A_1 {offsets = [0, 1], sizes = [1, 1], strides = [1, 1]} : vector<1x4xf32> to vector<1x1xf32>
    %add3A_70 = arith.constant 1.000000e-07 : f32
    %add3A_71 = vector.broadcast %add3A_70 : f32 to vector<1x1xf32>
    %add3A_72 = arith.addf %slice3A_69, %add3A_71 : vector<1x1xf32>
    %mul3A_73 = vector.broadcast %add3A_72 : vector<1x1xf32> to vector<80x1250xf32>
    %mul3A_74 = arith.mulf %get3A_68, %mul3A_73 : vector<80x1250xf32>
    %slice3A_75 = vector.extract_strided_slice %get3A_4 {offsets = [0, 1], sizes = [1, 1], strides = [1, 1]} : vector<1x4xf32> to vector<1x1xf32>
    %add3A_76 = vector.broadcast %slice3A_75 : vector<1x1xf32> to vector<80x1250xf32>
    %add3A_77 = arith.addf %mul3A_74, %add3A_76 : vector<80x1250xf32>
    %get3A_78 = arith.constant 0 : index
    %get3A_79 = arith.constant 0 : index
    %get3A_80 = vector.load %arg9[%get3A_78, %get3A_79] : memref<80x1250xf32, #tpu.memory_space<vmem>>, vector<80x1250xf32>
    %add3A_81 = arith.addf %add3A_77, %get3A_80 : vector<80x1250xf32>
    %get3A_82 = arith.constant 0 : index
    %get3A_83 = arith.constant 0 : index
    %get3A_84 = vector.load %arg11[%get3A_82, %get3A_83] : memref<80x1250xf32, #tpu.memory_space<vmem>>, vector<80x1250xf32>
    %add3A_85 = arith.addf %add3A_81, %get3A_84 : vector<80x1250xf32>
    %get3A_86 = arith.constant 0 : index
    %get3A_87 = arith.constant 0 : index
    %get3A_88 = vector.load %arg12[%get3A_86, %get3A_87] : memref<80x1250xf32, #tpu.memory_space<vmem>>, vector<80x1250xf32>
    %get3A_89 = arith.constant 0 : index
    %get3A_90 = arith.constant 0 : index
    %get3A_91 = vector.load %arg14[%get3A_89, %get3A_90] : memref<80x1250xf32, #tpu.memory_space<vmem>>, vector<80x1250xf32>
    %add3A_92 = arith.addf %get3A_88, %get3A_91 : vector<80x1250xf32>
    %get3A_93 = arith.constant 0 : index
    %get3A_94 = arith.constant 0 : index
    %get3A_95 = vector.load %arg13[%get3A_93, %get3A_94] : memref<80x1250xf32, #tpu.memory_space<vmem>>, vector<80x1250xf32>
    %get3A_96 = arith.constant 0 : index
    %get3A_97 = arith.constant 0 : index
    %get3A_98 = vector.load %arg15[%get3A_96, %get3A_97] : memref<80x1250xf32, #tpu.memory_space<vmem>>, vector<80x1250xf32>
    %add3A_99 = arith.addf %get3A_95, %get3A_98 : vector<80x1250xf32>
    %mul3A_100 = arith.mulf %add3A_65, %add3A_65 : vector<80x1250xf32>
    %reduce_sum3A_101 = vector.shape_cast %mul3A_100 : vector<80x1250xf32> to vector<1x80x1250xf32>
    %reduce_sum3A_102 = arith.constant dense<0.000000e+00> : vector<1xf32>
    %reduce_sum3A_103 = vector.multi_reduction <add>, %reduce_sum3A_101, %reduce_sum3A_102 [1, 2] : vector<1x80x1250xf32> to vector<1xf32>
    %reduce_sum3A_104 = vector.shape_cast %reduce_sum3A_103 : vector<1xf32> to vector<1x1x1xf32>
    %reduce_sum3A_105 = vector.extract %reduce_sum3A_104[0, 0, 0] : f32 from vector<1x1x1xf32>
    %mul3A_106 = arith.mulf %add3A_85, %add3A_85 : vector<80x1250xf32>
    %reduce_sum3A_107 = vector.shape_cast %mul3A_106 : vector<80x1250xf32> to vector<1x80x1250xf32>
    %reduce_sum3A_108 = arith.constant dense<0.000000e+00> : vector<1xf32>
    %reduce_sum3A_109 = vector.multi_reduction <add>, %reduce_sum3A_107, %reduce_sum3A_108 [1, 2] : vector<1x80x1250xf32> to vector<1xf32>
    %reduce_sum3A_110 = vector.shape_cast %reduce_sum3A_109 : vector<1xf32> to vector<1x1x1xf32>
    %reduce_sum3A_111 = vector.extract %reduce_sum3A_110[0, 0, 0] : f32 from vector<1x1x1xf32>
    %add3A_112 = arith.addf %reduce_sum3A_105, %reduce_sum3A_111 : f32
    %reshape3A_113 = vector.broadcast %add3A_112 : f32 to vector<1x1xf32>
    %swap3A_114 = arith.constant 0 : index
    %swap3A_115 = arith.constant 0 : index
    %swap3A_116 = vector.load %arg22[%swap3A_114, %swap3A_115] : memref<1x1xf32, #tpu.memory_space<vmem>>, vector<1x1xf32>
    tpu.vector_store %arg22[%swap3A_114, %swap3A_115], %reshape3A_113 {strides = array<i32>} : memref<1x1xf32, #tpu.memory_space<vmem>>, vector<1x1xf32>,
    %mul3A_117 = arith.mulf %add3A_65, %add3A_92 : vector<80x1250xf32>
    %reduce_sum3A_118 = vector.shape_cast %mul3A_117 : vector<80x1250xf32> to vector<1x80x1250xf32>
    %reduce_sum3A_119 = arith.constant dense<0.000000e+00> : vector<1xf32>
    %reduce_sum3A_120 = vector.multi_reduction <add>, %reduce_sum3A_118, %reduce_sum3A_119 [1, 2] : vector<1x80x1250xf32> to vector<1xf32>
    %reduce_sum3A_121 = vector.shape_cast %reduce_sum3A_120 : vector<1xf32> to vector<1x1x1xf32>
    %reduce_sum3A_122 = vector.extract %reduce_sum3A_121[0, 0, 0] : f32 from vector<1x1x1xf32>
    %mul3A_123 = arith.mulf %add3A_85, %add3A_99 : vector<80x1250xf32>
    %reduce_sum3A_124 = vector.shape_cast %mul3A_123 : vector<80x1250xf32> to vector<1x80x1250xf32>
    %reduce_sum3A_125 = arith.constant dense<0.000000e+00> : vector<1xf32>
    %reduce_sum3A_126 = vector.multi_reduction <add>, %reduce_sum3A_124, %reduce_sum3A_125 [1, 2] : vector<1x80x1250xf32> to vector<1xf32>
    %reduce_sum3A_127 = vector.shape_cast %reduce_sum3A_126 : vector<1xf32> to vector<1x1x1xf32>
    %reduce_sum3A_128 = vector.extract %reduce_sum3A_127[0, 0, 0] : f32 from vector<1x1x1xf32>
    %add3A_129 = arith.addf %reduce_sum3A_122, %reduce_sum3A_128 : f32
    %mul3A_130 = arith.constant 2.000000e+00 : f32
    %mul3A_131 = arith.mulf %mul3A_130, %add3A_129 : f32
    %mul3A_132 = arith.mulf %add3A_92, %add3A_92 : vector<80x1250xf32>
    %reduce_sum3A_133 = vector.shape_cast %mul3A_132 : vector<80x1250xf32> to vector<1x80x1250xf32>
    %reduce_sum3A_134 = arith.constant dense<0.000000e+00> : vector<1xf32>
    %reduce_sum3A_135 = vector.multi_reduction <add>, %reduce_sum3A_133, %reduce_sum3A_134 [1, 2] : vector<1x80x1250xf32> to vector<1xf32>
    %reduce_sum3A_136 = vector.shape_cast %reduce_sum3A_135 : vector<1xf32> to vector<1x1x1xf32>
    %reduce_sum3A_137 = vector.extract %reduce_sum3A_136[0, 0, 0] : f32 from vector<1x1x1xf32>
    %add3A_138 = arith.addf %mul3A_131, %reduce_sum3A_137 : f32
    %mul3A_139 = arith.mulf %add3A_99, %add3A_99 : vector<80x1250xf32>
    %reduce_sum3A_140 = vector.shape_cast %mul3A_139 : vector<80x1250xf32> to vector<1x80x1250xf32>
    %reduce_sum3A_141 = arith.constant dense<0.000000e+00> : vector<1xf32>
    %reduce_sum3A_142 = vector.multi_reduction <add>, %reduce_sum3A_140, %reduce_sum3A_141 [1, 2] : vector<1x80x1250xf32> to vector<1xf32>
    %reduce_sum3A_143 = vector.shape_cast %reduce_sum3A_142 : vector<1xf32> to vector<1x1x1xf32>
    %reduce_sum3A_144 = vector.extract %reduce_sum3A_143[0, 0, 0] : f32 from vector<1x1x1xf32>
    %add3A_145 = arith.addf %add3A_138, %reduce_sum3A_144 : f32
    %reshape3A_146 = vector.broadcast %add3A_145 : f32 to vector<1x1xf32>
    %swap3A_147 = arith.constant 0 : index
    %swap3A_148 = arith.constant 0 : index
    %swap3A_149 = vector.load %arg23[%swap3A_147, %swap3A_148] : memref<1x1xf32, #tpu.memory_space<vmem>>, vector<1x1xf32>
    tpu.vector_store %arg23[%swap3A_147, %swap3A_148], %reshape3A_146 {strides = array<i32>} : memref<1x1xf32, #tpu.memory_space<vmem>>, vector<1x1xf32>,
    %get3A_150 = arith.constant 0 : index
    %get3A_151 = arith.constant 0 : index
    %get3A_152 = vector.load %arg0[%get3A_150, %get3A_151] : memref<80x1250xf32, #tpu.memory_space<vmem>>, vector<80x1250xf32>
    %slice3A_153 = vector.extract_strided_slice %get3A_1 {offsets = [0, 2], sizes = [1, 1], strides = [1, 1]} : vector<1x4xf32> to vector<1x1xf32>
    %add3A_154 = arith.constant 1.000000e-07 : f32
    %add3A_155 = vector.broadcast %add3A_154 : f32 to vector<1x1xf32>
    %add3A_156 = arith.addf %slice3A_153, %add3A_155 : vector<1x1xf32>
    %mul3A_157 = vector.broadcast %add3A_156 : vector<1x1xf32> to vector<80x1250xf32>
    %mul3A_158 = arith.mulf %get3A_152, %mul3A_157 : vector<80x1250xf32>
    %slice3A_159 = vector.extract_strided_slice %get3A_4 {offsets = [0, 2], sizes = [1, 1], strides = [1, 1]} : vector<1x4xf32> to vector<1x1xf32>
    %add3A_160 = vector.broadcast %slice3A_159 : vector<1x1xf32> to vector<80x1250xf32>
    %add3A_161 = arith.addf %mul3A_158, %add3A_160 : vector<80x1250xf32>
    %get3A_162 = arith.constant 0 : index
    %get3A_163 = arith.constant 0 : index
    %get3A_164 = vector.load %arg1[%get3A_162, %get3A_163] : memref<80x1250xf32, #tpu.memory_space<vmem>>, vector<80x1250xf32>
    %slice3A_165 = vector.extract_strided_slice %get3A_1 {offsets = [0, 3], sizes = [1, 1], strides = [1, 1]} : vector<1x4xf32> to vector<1x1xf32>
    %add3A_166 = arith.constant 1.000000e-07 : f32
    %add3A_167 = vector.broadcast %add3A_166 : f32 to vector<1x1xf32>
    %add3A_168 = arith.addf %slice3A_165, %add3A_167 : vector<1x1xf32>
    %mul3A_169 = vector.broadcast %add3A_168 : vector<1x1xf32> to vector<80x1250xf32>
    %mul3A_170 = arith.mulf %get3A_164, %mul3A_169 : vector<80x1250xf32>
    %slice3A_171 = vector.extract_strided_slice %get3A_4 {offsets = [0, 3], sizes = [1, 1], strides = [1, 1]} : vector<1x4xf32> to vector<1x1xf32>
    %add3A_172 = vector.broadcast %slice3A_171 : vector<1x1xf32> to vector<80x1250xf32>
    %add3A_173 = arith.addf %mul3A_170, %add3A_172 : vector<80x1250xf32>
    %mul3A_174 = arith.mulf %add3A_161, %add3A_161 : vector<80x1250xf32>
    %mul3A_175 = arith.mulf %add3A_173, %add3A_173 : vector<80x1250xf32>
    %add3A_176 = arith.addf %mul3A_174, %mul3A_175 : vector<80x1250xf32>
    %get3A_177 = arith.constant 0 : index
    %get3A_178 = arith.constant 0 : index
    %get3A_179 = vector.load %arg17[%get3A_177, %get3A_178] : memref<80x1250xf32, #tpu.memory_space<vmem>>, vector<80x1250xf32>
    %get3A_180 = arith.constant 0 : index
    %get3A_181 = arith.constant 0 : index
    %get3A_182 = vector.load %arg16[%get3A_180, %get3A_181] : memref<80x1250xi32, #tpu.memory_space<vmem>>, vector<80x1250xi32>
    %eq3A = arith.constant 1 : i32
    %eq3A_183 = vector.broadcast %eq3A : i32 to vector<80x1250xi32>
    %eq3A_184 = arith.cmpi eq, %get3A_182, %eq3A_183 : vector<80x1250xi32>
    %convert_element_type3A = arith.extui %eq3A_184 : vector<80x1250xi1> to vector<80x1250xi32>
    %convert_element_type3A_185 = arith.sitofp %convert_element_type3A : vector<80x1250xi32> to vector<80x1250xf32>
    %mul3A_186 = arith.mulf %get3A_179, %get3A_179 : vector<80x1250xf32>
    %sub3A_187 = arith.subf %add3A_176, %mul3A_186 : vector<80x1250xf32>
    %abs3A = math.absf %sub3A_187 : vector<80x1250xf32>
    %mul3A_188 = arith.mulf %abs3A, %convert_element_type3A_185 : vector<80x1250xf32>
    %reduce_sum3A_189 = vector.shape_cast %mul3A_188 : vector<80x1250xf32> to vector<1x80x1250xf32>
    %reduce_sum3A_190 = arith.constant dense<0.000000e+00> : vector<1xf32>
    %reduce_sum3A_191 = vector.multi_reduction <add>, %reduce_sum3A_189, %reduce_sum3A_190 [1, 2] : vector<1x80x1250xf32> to vector<1xf32>
    %reduce_sum3A_192 = vector.shape_cast %reduce_sum3A_191 : vector<1xf32> to vector<1x1x1xf32>
    %reduce_sum3A_193 = vector.extract %reduce_sum3A_192[0, 0, 0] : f32 from vector<1x1x1xf32>
    %reshape3A_194 = vector.broadcast %reduce_sum3A_193 : f32 to vector<1x1xf32>
    %swap3A_195 = arith.constant 0 : index
    %swap3A_196 = arith.constant 0 : index
    %swap3A_197 = vector.load %arg24[%swap3A_195, %swap3A_196] : memref<1x1xf32, #tpu.memory_space<vmem>>, vector<1x1xf32>
    tpu.vector_store %arg24[%swap3A_195, %swap3A_196], %reshape3A_194 {strides = array<i32>} : memref<1x1xf32, #tpu.memory_space<vmem>>, vector<1x1xf32>,
    %reduce_sum3A_198 = vector.shape_cast %convert_element_type3A_185 : vector<80x1250xf32> to vector<1x80x1250xf32>
    %reduce_sum3A_199 = arith.constant dense<0.000000e+00> : vector<1xf32>
    %reduce_sum3A_200 = vector.multi_reduction <add>, %reduce_sum3A_198, %reduce_sum3A_199 [1, 2] : vector<1x80x1250xf32> to vector<1xf32>
    %reduce_sum3A_201 = vector.shape_cast %reduce_sum3A_200 : vector<1xf32> to vector<1x1x1xf32>
    %reduce_sum3A_202 = vector.extract %reduce_sum3A_201[0, 0, 0] : f32 from vector<1x1x1xf32>
    %reshape3A_203 = vector.broadcast %reduce_sum3A_202 : f32 to vector<1x1xf32>
    %swap3A_204 = arith.constant 0 : index
    %swap3A_205 = arith.constant 0 : index
    %swap3A_206 = vector.load %arg25[%swap3A_204, %swap3A_205] : memref<1x1xf32, #tpu.memory_space<vmem>>, vector<1x1xf32>
    tpu.vector_store %arg25[%swap3A_204, %swap3A_205], %reshape3A_203 {strides = array<i32>} : memref<1x1xf32, #tpu.memory_space<vmem>>, vector<1x1xf32>,
    return
  }
}

</mosaic_0001>

<sc_bundles>
// kernel: kernel.4.cloned.1.call-start
scs
__scs_entry_jumppad:
0x0: {  	(pc) =	sbr.rel $0x88, $3  }
0x1: {  	(tag) =	ssettag $0x0;
	lr =	simm.s32 $0x1  }
0x2: {  	[smem:$0x3F96] =	sst lr;
	_ =	strace $0xD0000000  }
0x3: {  	_ = 	snop  }
0x4: {  	_ = 	snop  }
0x5: {  	_ = 	snop  }
0x6: {  	_ = 	snop  }
0x7: {  	_ = 	snop  }
__scs_overlays_trampoline_lowered:
0x8: {  	[smem:$0x3FA5] =	sst s0  }
0x9: {  	[smem:$0x3FA6] =	sst s1  }
0xa: {  	[smem:$0x3FA7] =	sst s2  }
0xb: {  	[smem:$0x3FA8] =	sst s3  }
0xc: {  	[smem:$0x3FA9] =	sst s4  }
0xd: {  	[smem:$0x3FAA] =	sst s5  }
0xe: {  	[smem:$0x3FAB] =	sst s6  }
0xf: {  	[smem:$0x3FAC] =	sst s7  }
0x10: {  	[smem:$0x3FAD] =	sst s8  }
0x11: {  	[smem:$0x3FAE] =	sst s9;
	s0 =	simm.s32 @!p0 $0x0  }
0x12: {  	s1 =	sld [smem:$0x3F94];
	s0 =	simm.s32 @p0 $0x1  }
0x13: {  	[smem:$0x3FAF] =	sst s0;
	s0 =	simm.s32 @!p1 $0x0  }
0x14: {  	s2 =	sld [smem:$0x3F93];
	s0 =	simm.s32 @p1 $0x1  }
0x15: {  	[smem:$0x3FB0] =	sst s0;
	s0 =	simm.s32 @!p2 $0x0  }
0x16: {  	s3 =	sld [smem:$0x3FDB];
	s0 =	simm.s32 @p2 $0x1  }
0x17: {  	s4 =	simm.s32 $0x1BF5;
	[smem:$0x3FB2] =	sst s0  }
0x18: {  	s0 =	sld [smem:$0x3F95];
	_ =	swait.ge [sflag:s4], $0x0  }
0x19: {  	s7 =	sld [smem:$0x3F96]  }
0x1a: {  	s8 =	sadd.s32 $0xFFFFE003, lr  }
0x1b: {  	s9 =	sadd.s32 $0xFFFFFEF7, lr;
	s5 =	simm.s32 $0xFFFFFFFF;
	p2 =	slt.u32 s8, $0xFFFFF086  }
0x1c: {  	p1 =	slt.u32 s9, $0xF7A;
	s5 =	simm.s32 @!p2 $0x0  }
0x1d: {  	s5 =	simm.s32 @p1 $0x1;
	p0 =	seq.s32 s7, s2  }
0x1e: {  	s7 =	smul.u32 @!p0 $0xF7A, s2;
	p2 =	seq.s32 @!p0 s5, $0x0  }
0x1f: {  	s9 =	smul.u32 $0xF7A, s1;
	s8 =	simm.s32 @!p0 $0x1BF5;
	p2 =	por !p2, p0  }
0x20: {  	[sflag:s8] =	ssyncset.s32 @!p0 $0xFFFFF086;
	s6 =	sadd.s32 @!p0 s3, s7;
	s7 =	simm.s32 @!p0 $0x108  }
0x21: {  	s3 =	sadd.s32 s3, s9;
	s6 =	sadd.s32 @!p0 $0x88, s6;
	s7 =	simm.s32 @p2 $0x1082  }
0x22: {  	[simem:s7], [sflag:s8] =	dma.local @!p0 [hbm:s6], $0xF7A  }
0x23: {  	s9 =	sor.u32 $0xD0000000, s2;
	s6 =	simm.s32 $0x108;
	_ =	swait.ge @!p0 [sflag:s8], $0x0  }
0x24: {  	s3 =	sadd.s32 $0x88, s3;
	s6 =	simm.s32 @!p1 $0x1082;
	[sflag:s4] =	ssyncset.s32 $0xFFFFF086  }
0x25: {  	[simem:s6], [sflag:s4] =	dma.local [hbm:s3], $0xF7A  }
0x26: {  	[smem:$0x3F96] =	sst s1;
	(tag) =	ssettag s2;
	_ =	strace s9  }
0x27: {  	s1 =	sld [smem:$0x3FA6]  }
0x28: {  	s2 =	sld [smem:$0x3FA7]  }
0x29: {  	s4 =	sld [smem:$0x3FA9]  }
0x2a: {  	p0 =	seq.s32 s5, $0x0;
	s5 =	sld [smem:$0x3FAA]  }
0x2b: {  	s6 =	sld [smem:$0x3FAB]  }
0x2c: {  	s7 =	sld [smem:$0x3FAC]  }
0x2d: {  	s3 =	simm.s32 $0x108;
	s8 =	sld [smem:$0x3FAD]  }
0x2e: {  	s3 =	simm.s32 @!p0 $0x1082;
	s9 =	sld [smem:$0x3FAE]  }
0x2f: {  	lr =	sadd.s32 s0, s3;
	s0 =	sld [smem:$0x3FA5]  }
0x30: {  	s3 =	sld [smem:$0x3FA8]  }
0x31: {  	[smem:$0x3FB1] =	sst s10  }
0x32: {  	s10 =	sld [smem:$0x3FAF];
	_ =	sdelay $0x3  }
0x33: {  	p0 =	seq.s32 s10, $0x1;
	s10 =	sld [smem:$0x3FB1];
	_ =	sdelay $0x3  }
0x34: {  	[smem:$0x3FB1] =	sst s10  }
0x35: {  	s10 =	sld [smem:$0x3FB0];
	_ =	sdelay $0x3  }
0x36: {  	p1 =	seq.s32 s10, $0x1;
	s10 =	sld [smem:$0x3FB1];
	_ =	sdelay $0x3  }
0x37: {  	[smem:$0x3FB1] =	sst s10  }
0x38: {  	s10 =	sld [smem:$0x3FB2]  }
0x39: {  	_ = 	snop;
	(pc) =	sbr.ind lr, $3  }
0x3a: {  	_ = 	snop  }
0x3b: {  	_ = 	snop  }
0x3c: {  	p2 =	seq.s32 s10, $0x1;
	s10 =	sld [smem:$0x3FB1]  }
0x3d: {  	_ =	shalt  }
0x3e: {  	_ =	shalt  }
0x3f: {  	_ =	shalt  }
0x40: {  	_ =	shalt  }
0x41: {  	_ =	shalt  }
0x42: {  	_ =	shalt  }
0x43: {  	_ =	shalt  }
0x44: {  	_ =	shalt  }
0x45: {  	_ =	shalt  }
0x46: {  	_ =	shalt  }
0x47: {  	_ =	shalt  }
0x48: {  	_ =	shalt  }
0x49: {  	_ =	shalt  }
0x4a: {  	_ =	shalt  }
0x4b: {  	_ =	shalt  }
0x4c: {  	_ =	shalt  }
0x4d: {  	_ =	shalt  }
0x4e: {  	_ =	shalt  }
0x4f: {  	_ =	shalt  }
0x50: {  	_ =	shalt  }
0x51: {  	_ =	shalt  }
0x52: {  	_ =	shalt  }
0x53: {  	_ =	shalt  }
0x54: {  	_ =	shalt  }
0x55: {  	_ =	shalt  }
0x56: {  	_ =	shalt  }
0x57: {  	_ =	shalt  }
0x58: {  	_ =	shalt  }
0x59: {  	_ =	shalt  }
0x5a: {  	_ =	shalt  }
0x5b: {  	_ =	shalt  }
0x5c: {  	_ =	shalt  }
0x5d: {  	_ =	shalt  }
0x5e: {  	_ =	shalt  }
0x5f: {  	_ =	shalt  }
0x60: {  	_ =	shalt  }
0x61: {  	_ =	shalt  }
0x62: {  	_ =	shalt  }
0x63: {  	_ =	shalt  }
0x64: {  	_ =	shalt  }
0x65: {  	_ =	shalt  }
0x66: {  	_ =	shalt  }
0x67: {  	_ =	shalt  }
0x68: {  	_ =	shalt  }
0x69: {  	_ =	shalt  }
0x6a: {  	_ =	shalt  }
0x6b: {  	_ =	shalt  }
0x6c: {  	_ =	shalt  }
0x6d: {  	_ =	shalt  }
0x6e: {  	_ =	shalt  }
0x6f: {  	_ =	shalt  }
0x70: {  	_ =	shalt  }
0x71: {  	_ =	shalt  }
0x72: {  	_ =	shalt  }
0x73: {  	_ =	shalt  }
0x74: {  	_ =	shalt  }
0x75: {  	_ =	shalt  }
0x76: {  	_ =	shalt  }
0x77: {  	_ =	shalt  }
0x78: {  	_ =	shalt  }
0x79: {  	_ =	shalt  }
0x7a: {  	_ =	shalt  }
0x7b: {  	_ =	shalt  }
0x7c: {  	_ =	shalt  }
0x7d: {  	_ =	shalt  }
0x7e: {  	_ =	shalt  }
0x7f: {  	_ =	shalt  }
0x80: {  	_ =	shalt  }
0x81: {  	_ =	shalt  }
0x82: {  	_ =	shalt  }
0x83: {  	_ =	shalt  }
0x84: {  	_ =	shalt  }
0x85: {  	_ =	shalt  }
0x86: {  	_ =	shalt  }
0x87: {  	_ =	shalt  }
.Lfunc_end0:
.L_simem_size_0:
called_computation_lowered:
.L_overlay_start_0:
0x88: {  	s2 =	sld [smem:$0x3FD9]  }
0x89: {  	s3 =	sld [smem:$0x3FFE];
	_ =	sdelay $0x1  }
0x8a: {  	s1 =	srdreg.scid  }
0x8b: {  	s0 =	sand.u32 $0x1, s1  }
0x8c: {  	s16 =	sshll.u32 s0, $0xA;
	s2 =	sadd.s32 s3, s2  }
0x8d: {  	s2 =	sadd.s32 s2, s16  }
0x8e: {  	[smem:$0x3FBD] =	sst s2  }
0x8f: {  	_ = 	snop  }
0x90: {  	(tm) =	ssettm $0x1  }
0x91: {  	s17 =	sld [smem:$0x3FFB];
	_ =	sdelay $0x3  }
0x92: {  	_ =	strace s17  }
0x93: {  	s2 =	sld [smem:$0x3FFC];
	_ =	sdelay $0x3  }
0x94: {  	_ =	strace s2  }
0x95: {  	s2 =	sld [smem:$0x3FFD];
	_ =	sdelay $0x3  }
0x96: {  	_ =	strace s2  }
0x97: {  	_ =	strace $0x8FFFFFFF  }
0x98: {  	s18 =	sld [smem:$0x3FDB];
	_ =	sdelay $0x1  }
0x99: {  	s19 =	simm.s32 $_scs_section_size  }
0x9a: {  	s4 =	simm.s32 $_size__tile_overlayer_lowered;
	s5 =	simm.s32 $_tile_overlayer_lowered  }
0x9b: {  	s22 =	simm.s32 $0x1BFF;
	s21 =	sshll.u32 s5, $0x1;
	s2 =	sadd.s32 s19, s18  }
0x9c: {  	s6 =	simm.s32 $0x0;
	s20 =	sshll.u32 s4, $0x1;
	s4 =	sadd.s32 s21, s2  }
0x9d: {  	[timem:s6], [sflag:s22] =	dma.local [hbm:s4], s20  }
0x9e: {  	_ =	swait.ge [sflag:s22], s20  }
0x9f: {  	s3 =	ssub.s32 $0x0, s20;
	[sflag:s22] =	ssyncset.done $0x0  }
0xa0: {  	[sflag:s22] =	ssyncadd.s32 s3;
	_ =	sdelay $0x1  }
0xa1: {  	s23 =	simm.s32 $0x1B8B  }
0xa2: {  	_ =	swait.ge [sflag:s23], $0x1  }
0xa3: {  	[sflag:s23] =	ssyncset.done $0x0  }
0xa4: {  	s25 =	simm.s32 $0x1B8E;
	s24 =	sld [smem:$0x3FFE];
	[sflag:s23] =	ssyncadd.s32 $0xFFFFFFFF  }
0xa5: {  	s26 =	simm.s32 $execute0_lowered;
	[smem:$0x3FD2] =	sst s25  }
0xa6: {  	s4 =	sshll.u32 s26, $0x1;
	_ =	strace $0x80000046;
	[dreg:$0x1] =	wrdreg $0xFFFFFFFF  }
0xa7: {  	s28 =	simm.s32 $_size_execute0_lowered;
	s2 =	sadd.s32 s2, s4;
	[dreg:$0x0] =	wrdreg $0x0  }
0xa8: {  	s4 =	sshll.u32 s28, $0x1;
	[dreg:$0x2] =	wrdreg s2  }
0xa9: {  	[dreg:$0x3] =	wrdreg s4  }
0xaa: {  	[dreg:$0x4] =	wrdreg $0xC0  }
0xab: {  	_ =	task [dreg:s6], $0x5FFFF  }
0xac: {  	[dreg:$0x1] =	wrdreg $0xFFFFFFFF  }
0xad: {  	[dreg:$0x0] =	wrdreg $0x60  }
0xae: {  	[dreg:$0x2] =	wrdreg s24  }
0xaf: {  	[dreg:$0x3] =	wrdreg $0x1BDC00  }
0xb0: {  	[dreg:$0x4] =	wrdreg $0x1D6300  }
0xb1: {  	[dreg:$0x5] =	wrdreg $0x0  }
0xb2: {  	[dreg:$0x6] =	wrdreg $0x18700  }
0xb3: {  	[dreg:$0x7] =	wrdreg $0x30E00  }
0xb4: {  	[dreg:$0x8] =	wrdreg $0x49500  }
0xb5: {  	[dreg:$0x9] =	wrdreg $0x9  }
0xb6: {  	_ =	task.clear_ibuf [dreg:s6], $0xAFFFF;
	_ =	strace $0x90000046  }
0xb7: {  	s29 =	simm.s32 $0x9;
	_ =	strace $0x80000048  }
0xb8: {  	_ =	swait.ge [sflag:s29], $0x1  }
0xb9: {  	[sflag:s29] =	ssyncadd.s32 $0xFFFFFFFF  }
0xba: {  	_ =	strace $0x90000048  }
0xbb: {  	_ =	sfence  }
0xbc: {  	s30 =	sld [smem:$0x0];
	_ =	sdelay $0x2  }
0xbd: {  	s31 =	sshll.u32 s1, $0xD;
	s1 =	sshrl.u32 s1, $0x2  }
0xbe: {  	s3 =	sand.u32 $0x4000, s31;
	s1 =	sadd.s32 s1, s30  }
0xbf: {  	s0 =	sor.u32 s3, s0;
	s1 =	sshll.u32 s1, $0x11  }
0xc0: {  	s0 =	sor.u32 s1, s0  }
0xc1: {  	s0 =	sadd.s32 $0x8F2B, s0  }
0xc2: {  	[sflag:s0] =	ssyncadd.remote.s32 $0x1  }
0xc3: {  	_ =	sfence.sel $0xFFFF  }
0xc4: {  	[dreg:$0x0] =	wrdreg $0xFFFFFFFF;
	(pc) =	sbr.abs _section_cstart, $3  }
0xc5: {  	[dreg:$0x1] =	wrdreg $0xFFFFFFFF  }
0xc6: {  	_ =	task.clear_ibuf [dreg:s6], $0x2FFFF;
	_ =	strace $0x9FFFFFFF  }
0xc7: {  	(tm) =	ssettm $0x7FFFFFFF  }
tec
execute0_lowered:
.L_overlay_start_1:
0x0: {  	(tag) =	ssettag $0x1  }
0x1: {  	s13 =	rddreg [dreg:$0x0]  }
0x2: {  	s2 =	rddreg [dreg:$0x1]  }
0x3: {  	s3 =	rddreg [dreg:$0x2]  }
0x4: {  	s14 =	rddreg [dreg:$0x3]  }
0x5: {  	s15 =	rddreg [dreg:$0x4]  }
0x6: {  	s16 =	rddreg [dreg:$0x5]  }
0x7: {  	s17 =	rddreg [dreg:$0x6];
	s9 =	simm.s32 $0x0  }
0x8: {  	s7 =	stileid.u32;
	s0 =	srdreg.scid;
	s29 =	simm.s32 $0x18540  }
0x9: {  	s30 =	simm.s32 $0x81C0;
	s31 =	simm.s32 $0x19540;
	[smem:$0x7FF] =	sst s9  }
0xa: {  	s1 =	smul.u32 $0x1870, s7;
	s0 =	sand.u32 $0x1, s0;
	s11 =	sadd.s32 $0x250600, s13  }
0xb: {  	s10 =	sadd.s32 $0xC3600, s13;
	_ =	strace $0x80000047;
	s4 =	smul.u32 $0x18700, s0  }
0xc: {  	s6 =	sshll.u32 s0, $0x4;
	s0 =	ssub.s32 $0x2, s0;
	s26 =	sadd.s32 s1, s2  }
0xd: {  	s5 =	sshrl.u32 s1, $0x3;
	s18 =	sadd.s32 s1, s3;
	[dreg:$0x9] =	wrdreg s26  }
0xe: {  	s6 =	sor.u32 s7, s6;
	s19 =	sadd.s32 s1, s14;
	[dreg:$0xb] =	wrdreg s18  }
0xf: {  	s8 =	sshrl.u32 s0, $0x1;
	s20 =	sadd.s32 s1, s15;
	[dreg:$0xc] =	wrdreg s19  }
0x10: {  	s22 =	sadd.s32 s1, s16;
	s28 =	sadd.s32 s1, s17;
	[dreg:$0xd] =	wrdreg s20  }
0x11: {  	s5 =	sadd.s32 s5, s13;
	s7 =	sshll.u32 s6, $0x1;
	[dreg:$0xe] =	wrdreg s22  }
0x12: {  	s0 =	ssub.s32 s0, s8;
	[dreg:$0xf] =	wrdreg s28;
	s25 =	sadd.s32 $0x186C00, s5  }
0x13: {  	s6 =	smul.u32 $0x30D40, s6;
	s5 =	sadd.s32 $0x189E00, s5;
	[dreg:$0x8] =	wrdreg s25  }
0x14: {  	s12 =	sadd.s32 $0x18D000, s13;
	s0 =	smax.u32 s0, $0x1;
	[dreg:$0xa] =	wrdreg s5  }
0x15: {  	s4 =	sadd.s32 s1, s4;
	s14 =	sadd.s32 $0x1F40, s6;
	[dreg:$0x1f] =	wrdreg s0  }
0x16: {  	s21 =	sshrl.u32 s6, $0x3;
	s15 =	sadd.s32 $0x2EE0, s6;
	[dreg:$0x14] =	wrdreg s14  }
0x17: {  	s4 =	sshrl.u32 s4, $0x3;
	s23 =	sadd.s32 s10, s21;
	[dreg:$0x15] =	wrdreg s15  }
0x18: {  	s7 =	sadd.s32 s7, s13;
	s24 =	sadd.s32 s13, s21;
	[dreg:$0x10] =	wrdreg s23  }
0x19: {  	s4 =	sadd.s32 s4, s13;
	s25 =	sadd.s32 s11, s21;
	[dreg:$0x11] =	wrdreg s24  }
0x1a: {  	s0 =	simm.s32 $0xE;
	s26 =	sadd.s32 s12, s21;
	[dreg:$0x12] =	wrdreg s25  }
0x1b: {  	s5 =	simm.s32 $0x4;
	s18 =	sadd.s32 $0x320800, s4;
	[dreg:$0x13] =	wrdreg s26  }
0x1c: {  	s6 =	simm.s32 $0x6;
	s20 =	sadd.s32 $0x326A00, s4;
	[dreg:$0x18] =	wrdreg s18  }
0x1d: {  	s8 =	sadd.s32 $0x1F4, s21;
	s21 =	sadd.s32 $0x314400, s4;
	[dreg:$0x1a] =	wrdreg s20  }
0x1e: {  	s22 =	sadd.s32 $0x31A600, s4;
	s15 =	simm.s32 $0xFA0;
	[dreg:$0x1b] =	wrdreg s21  }
0x1f: {  	s14 =	simm.s32 $0xD;
	s16 =	sadd.s32 s10, s8;
	[dreg:$0x1d] =	wrdreg s22  }
0x20: {  	s4 =	simm.s32 $0x2;
	s17 =	sadd.s32 s13, s8;
	[dreg:$0x16] =	wrdreg s16  }
0x21: {  	s19 =	sadd.s32 s11, s8;
	s1 =	sadd.s32 s12, s8;
	[dreg:$0x17] =	wrdreg s17  }
0x22: {  	s23 =	sadd.s32 $0x32CC00, s7;
	s24 =	sadd.s32 $0x314000, s13;
	[dreg:$0x19] =	wrdreg s19  }
0x23: {  	s25 =	sadd.s32 $0x313E00, s13;
	s26 =	sadd.s32 $0x313C00, s13;
	[dreg:$0x1c] =	wrdreg s1  }
0x24: {  	s21 =	simm.s32 $0x3;
	s22 =	simm.s32 $0x5;
	[dreg:$0x1e] =	wrdreg s23  }
.Ltmp0:
0x25: {  	s13 =	simm.s32 $0x16240;
	[smem:$0x7FB] =	sst s24;
	(pc) =	sbr.rel .LBB2_1-.Ltmp0, $4  }
0x26: {  	s18 =	simm.s32 $0x17240;
	s20 =	simm.s32 $0xC;
	[smem:$0x7FC] =	sst s25  }
0x27: {  	s8 =	simm.s32 $0x8;
	[smem:$0x7FD] =	sst s26;
	s24 =	simm.s32 $0x1A540  }
0x28: {  	s1 =	simm.s32 $0x91C0;
	s16 =	simm.s32 $0x1;
	s23 =	simm.s32 $0x7  }
0x29: {  	v0 =	vimm.s32 $0x0;
	s17 =	simm.s32 $0xA;
	s19 =	simm.s32 $0xB;
	s26 =	simm.s32 $0x0  }
.LBB2_8:
0x2a: {  	[bflag:$0x0] =	sbarrier.arrive $0xFFFF  }
0x2b: {  	s24 =	simm.s32 $0x1A540;
	s25 =	simm.s32 $0xF;
	s7 =	rddreg [dreg:$0xc]  }
0x2c: {  	[tilespmem:s24], [sflag:$0xF] =	stream.linear.gather [spmem:s7], $0x1870, $0x38;
	[tilespmem:$0x1EEA0] =	vst v63  }
0x2d: {  	_ =	swait.ge [sflag:s25], $0x1870  }
0x2e: {  	[sflag:s25] =	ssyncset.done $0x0  }
0x2f: {  	s26 =	rddreg [dreg:$0x18];
	[sflag:s25] =	ssyncadd.s32 $0xFFFFE790  }
0x30: {  	[hbm4b:s26+s9] =	stream.linear.scatter [tilespmem:s24], [sflag:$0xF], $0x1870, $0x38;
	[tilespmem:$0x1EEA0] =	vst v63  }
0x31: {  	_ =	swait.ge [sflag:s25], $0x1870  }
0x32: {  	[sflag:s25] =	ssyncset.done $0x0  }
0x33: {  	s26 =	rddreg [dreg:$0xd];
	[sflag:s25] =	ssyncadd.s32 $0xFFFFE790  }
0x34: {  	[tilespmem:s24], [sflag:$0xF] =	stream.linear.gather [spmem:s26], $0x1870, $0x38;
	[tilespmem:$0x1EEA0] =	vst v63  }
0x35: {  	_ =	swait.ge [sflag:s25], $0x1870  }
0x36: {  	[sflag:s25] =	ssyncset.done $0x0  }
0x37: {  	s26 =	rddreg [dreg:$0x1a];
	[sflag:s25] =	ssyncadd.s32 $0xFFFFE790  }
0x38: {  	[hbm4b:s26+s9] =	stream.linear.scatter [tilespmem:s24], [sflag:$0xF], $0x1870, $0x38;
	[tilespmem:$0x1EEA0] =	vst v63  }
0x39: {  	_ =	swait.ge [sflag:s25], $0x1870  }
0x3a: {  	[sflag:s25] =	ssyncset.done $0x0  }
0x3b: {  	s26 =	rddreg [dreg:$0xe];
	[sflag:s25] =	ssyncadd.s32 $0xFFFFE790  }
0x3c: {  	[tilespmem:s24], [sflag:$0xF] =	stream.linear.gather [spmem:s26], $0x1870, $0x38;
	[tilespmem:$0x1EEA0] =	vst v63  }
0x3d: {  	_ =	swait.ge [sflag:s25], $0x1870  }
0x3e: {  	[sflag:s25] =	ssyncset.done $0x0  }
0x3f: {  	s26 =	rddreg [dreg:$0x1b];
	[sflag:s25] =	ssyncadd.s32 $0xFFFFE790  }
0x40: {  	[hbm4b:s26+s9] =	stream.linear.scatter [tilespmem:s24], [sflag:$0xF], $0x1870, $0x38;
	[tilespmem:$0x1EEA0] =	vst v63  }
0x41: {  	_ =	swait.ge [sflag:s25], $0x1870  }
0x42: {  	[sflag:s25] =	ssyncset.done $0x0  }
0x43: {  	s28 =	rddreg [dreg:$0xf];
	[sflag:s25] =	ssyncadd.s32 $0xFFFFE790  }
0x44: {  	[tilespmem:s24], [sflag:$0xF] =	stream.linear.gather [spmem:s28], $0x1870, $0x38;
	[tilespmem:$0x1EEA0] =	vst v63  }
0x45: {  	_ =	swait.ge [sflag:s25], $0x1870  }
0x46: {  	[sflag:s25] =	ssyncset.done $0x0  }
0x47: {  	s26 =	rddreg [dreg:$0x1d];
	[sflag:s25] =	ssyncadd.s32 $0xFFFFE790  }
0x48: {  	[hbm4b:s26+s9] =	stream.linear.scatter [tilespmem:s24], [sflag:$0xF], $0x1870, $0x38;
	[tilespmem:$0x1EEA0] =	vst v63  }
0x49: {  	_ =	swait.ge [sflag:s25], $0x1870  }
0x4a: {  	[sflag:s25] =	ssyncset.done $0x0  }
0x4b: {  	s26 =	simm.s32 $0x101C0;
	s7 =	rddreg [dreg:$0x1e];
	[sflag:s25] =	ssyncadd.s32 $0xFFFFE790  }
0x4c: {  	[hbm4b:s7+s9] =	stream.linear.scatter [tilespmem:s26], [sflag:$0xF], $0x10, $0x38;
	[tilespmem:$0x1EEA0] =	vst v63  }
0x4d: {  	_ =	swait.ge [sflag:s25], $0x10  }
0x4e: {  	s7 =	sld [smem:$0x7FA];
	_ =	sdelay $0x2  }
0x4f: {  	[sflag:s25] =	ssyncset.done $0x0;
	s25 =	rddreg [dreg:$0x1f];
	s26 =	sadd.s32 $0x1, s7  }
0x50: {  	p0 =	sne.s32 s26, s25  }
.Ltmp1:
0x51: {  	_ = 	snop;
	(pc) =	sbr.rel @!p0 .LBB2_9-.Ltmp1, $3  }
0x52: {  	_ =	sdelay $0x1  }
0x53: {  	s25 =	simm.s32 $0xF  }
0x54: {  	[sflag:s25] =	ssyncadd.s32 $0xFFFFFFF0  }
.LBB2_1:
0x55: {  	[smem:$0x7FA] =	sst s26  }
0x56: {  	s25 =	simm.s32 $0xF;
	s7 =	rddreg [dreg:$0x8]  }
0x57: {  	[tilespmem:s24], [sflag:$0xF] =	stream.linear.gather [hbm4b:s7+s9], $0x1870, $0x38;
	[tilespmem:$0x1EEA0] =	vst v63  }
0x58: {  	_ =	swait.ge [sflag:s25], $0x1870  }
0x59: {  	[sflag:s25] =	ssyncset.done $0x0  }
0x5a: {  	s26 =	rddreg [dreg:$0x9];
	[sflag:s25] =	ssyncadd.s32 $0xFFFFE790  }
0x5b: {  	[spmem:s26] =	stream.linear.scatter [tilespmem:s24], [sflag:$0xF], $0x1870, $0x38;
	[tilespmem:$0x1EEA0] =	vst v63  }
0x5c: {  	_ =	swait.ge [sflag:s25], $0x1870  }
0x5d: {  	[sflag:s25] =	ssyncset.done $0x0  }
0x5e: {  	s26 =	rddreg [dreg:$0xa];
	[sflag:s25] =	ssyncadd.s32 $0xFFFFE790  }
0x5f: {  	[tilespmem:s24], [sflag:$0xF] =	stream.linear.gather [hbm4b:s26+s9], $0x1870, $0x38;
	[tilespmem:$0x1EEA0] =	vst v63  }
0x60: {  	_ =	swait.ge [sflag:s25], $0x1870  }
0x61: {  	[sflag:s25] =	ssyncset.done $0x0  }
0x62: {  	s26 =	rddreg [dreg:$0xb];
	[sflag:s25] =	ssyncadd.s32 $0xFFFFE790  }
0x63: {  	[spmem:s26] =	stream.linear.scatter [tilespmem:s24], [sflag:$0xF], $0x1870, $0x38;
	[tilespmem:$0x1EEA0] =	vst v63  }
0x64: {  	_ =	swait.ge [sflag:s25], $0x1870  }
0x65: {  	s26 =	sld [smem:$0x7FB]  }
0x66: {  	[sflag:s25] =	ssyncset.done $0x0  }
0x67: {  	[sflag:s25] =	ssyncadd.s32 $0xFFFFE790  }
0x68: {  	[tilespmem:s24], [sflag:$0xF] =	stream.linear.gather [hbm4b:s26+s9], $0x1880, $0x38;
	[tilespmem:$0x1EEA0] =	vst v63  }
0x69: {  	_ =	swait.ge [sflag:s25], $0x1880  }
0x6a: {  	[sflag:s25] =	ssyncset.done $0x0  }
0x6b: {  	s26 =	rddreg [dreg:$0xc];
	[sflag:s25] =	ssyncadd.s32 $0xFFFFE780  }
0x6c: {  	[spmem:s26] =	stream.linear.scatter [tilespmem:s24], [sflag:$0xF], $0x1870, $0x38;
	[tilespmem:$0x1EEA0] =	vst v63  }
0x6d: {  	_ =	swait.ge [sflag:s25], $0x1870  }
0x6e: {  	[sflag:s25] =	ssyncset.done $0x0  }
0x6f: {  	s26 =	rddreg [dreg:$0xd];
	[sflag:s25] =	ssyncadd.s32 $0xFFFFE790  }
0x70: {  	[spmem:s26] =	stream.linear.scatter [tilespmem:s24], [sflag:$0xF], $0x1870, $0x38;
	[tilespmem:$0x1EEA0] =	vst v63  }
0x71: {  	_ =	swait.ge [sflag:s25], $0x1870  }
0x72: {  	[sflag:s25] =	ssyncset.done $0x0  }
0x73: {  	s26 =	rddreg [dreg:$0xe];
	[sflag:s25] =	ssyncadd.s32 $0xFFFFE790  }
0x74: {  	[spmem:s26] =	stream.linear.scatter [tilespmem:s24], [sflag:$0xF], $0x1870, $0x38;
	[tilespmem:$0x1EEA0] =	vst v63  }
0x75: {  	_ =	swait.ge [sflag:s25], $0x1870  }
0x76: {  	[sflag:s25] =	ssyncset.done $0x0  }
0x77: {  	[sflag:s25] =	ssyncadd.s32 $0xFFFFE790  }
0x78: {  	[spmem:s28] =	stream.linear.scatter [tilespmem:s24], [sflag:$0xF], $0x1870, $0x38;
	[tilespmem:$0x1EEA0] =	vst v63  }
0x79: {  	_ =	swait.ge [sflag:s25], $0x1870  }
0x7a: {  	s24 =	sld [smem:$0x7FC]  }
0x7b: {  	[sflag:s25] =	ssyncset.done $0x0  }
0x7c: {  	s26 =	simm.s32 $0x18440;
	[sflag:s25] =	ssyncadd.s32 $0xFFFFE790  }
0x7d: {  	[tilespmem:s26], [sflag:$0xF] =	stream.linear.gather [hbm4b:s24+s9], $0x100, $0x38;
	[tilespmem:$0x1EEA0] =	vst v63  }
0x7e: {  	_ =	swait.ge [sflag:s25], $0x100  }
0x7f: {  	s24 =	sld [smem:$0x7FD]  }
0x80: {  	[sflag:s25] =	ssyncset.done $0x0  }
0x81: {  	s26 =	simm.s32 $0x18240;
	[sflag:s25] =	ssyncadd.s32 $0xFFFFFF00  }
0x82: {  	[tilespmem:s26], [sflag:$0xF] =	stream.linear.gather [hbm4b:s24+s9], $0x200, $0x38;
	[tilespmem:$0x1EEA0] =	vst v63  }
0x83: {  	_ =	swait.ge [sflag:s25], $0x200  }
0x84: {  	[sflag:s25] =	ssyncset.done $0x0  }
0x85: {  	[sflag:s25] =	ssyncadd.s32 $0xFFFFFE00  }
0x86: {  	[tilespmem:$0x101C0] =	vst v0  }
0x87: {  	[bflag:$0x0] =	sbarrier.arrive $0xFFFF  }
0x88: {  	v1 =	vld [tilespmem:$0x18440]  }
0x89: {  	v2 =	vld [tilespmem:$0x184C0]  }
0x8a: {  	v3 =	vld [tilespmem:$0x18240]  }
0x8b: {  	v4 =	vld [tilespmem:$0x182C0]  }
0x8c: {  	v5 =	vld [tilespmem:$0x18340];
	s26 =	rddreg [dreg:$0x10]  }
0x8d: {  	v6 =	vld [tilespmem:$0x183C0];
	[tilespmem:s29], [sflag:$0x9] =	stream.linear.gather [hbm4b:s26+s9], $0xFA0, $0x38  }
0x8e: {  	s24 =	rddreg [dreg:$0x11]  }
0x8f: {  	[tilespmem:s30], [sflag:$0x9] =	stream.linear.gather [hbm4b:s24+s9], $0xFA0, $0x38;
	[tilespmem:$0x1EEA0] =	vst v63  }
0x90: {  	s25 =	rddreg [dreg:$0x12];
	s26 =	simm.s32 $0x12240  }
0x91: {  	[tilespmem:s26], [sflag:$0x9] =	stream.linear.gather [hbm4b:s25+s9], $0xFA0, $0x38;
	[tilespmem:$0x1EEA0] =	vst v63  }
0x92: {  	s24 =	rddreg [dreg:$0x13];
	s25 =	simm.s32 $0x61C0  }
0x93: {  	[tilespmem:s25], [sflag:$0x9] =	stream.linear.gather [hbm4b:s24+s9], $0xFA0, $0x38;
	[tilespmem:$0x1EEA0] =	vst v63  }
0x94: {  	s26 =	rddreg [dreg:$0x16]  }
0x95: {  	[tilespmem:s31], [sflag:$0xA] =	stream.linear.gather [hbm4b:s26+s9], $0xFA0, $0x38;
	[tilespmem:$0x1EEA0] =	vst v63  }
0x96: {  	s24 =	rddreg [dreg:$0x17]  }
0x97: {  	[tilespmem:s1], [sflag:$0xA] =	stream.linear.gather [hbm4b:s24+s9], $0xFA0, $0x38;
	[tilespmem:$0x1EEA0] =	vst v63  }
0x98: {  	s25 =	rddreg [dreg:$0x19];
	s26 =	simm.s32 $0x13240  }
0x99: {  	[tilespmem:s26], [sflag:$0xA] =	stream.linear.gather [hbm4b:s25+s9], $0xFA0, $0x38;
	[tilespmem:$0x1EEA0] =	vst v63  }
0x9a: {  	s25 =	rddreg [dreg:$0x1c];
	s26 =	simm.s32 $0x71C0  }
0x9b: {  	[tilespmem:s26], [sflag:$0xA] =	stream.linear.gather [hbm4b:s25+s9], $0xFA0, $0x38;
	[tilespmem:$0x1EEA0] =	vst v63  }
0x9c: {  	s25 =	simm.s32 $0x9  }
0x9d: {  	_ =	swait.ge [sflag:s25], $0xFA0  }
0x9e: {  	[sflag:s25] =	ssyncset.done $0x0  }
0x9f: {  	[sflag:s25] =	ssyncadd.s32 $0xFFFFF060  }
0xa0: {  	_ =	swait.ge [sflag:s25], $0xFA0  }
0xa1: {  	[sflag:s25] =	ssyncset.done $0x0  }
0xa2: {  	[sflag:s25] =	ssyncadd.s32 $0xFFFFF060  }
0xa3: {  	_ =	swait.ge [sflag:s25], $0xFA0  }
0xa4: {  	[sflag:s25] =	ssyncset.done $0x0  }
0xa5: {  	[sflag:s25] =	ssyncadd.s32 $0xFFFFF060  }
0xa6: {  	_ =	swait.ge [sflag:s25], $0xFA0  }
0xa7: {  	[sflag:s25] =	ssyncset.done $0x0  }
0xa8: {  	s26 =	simm.s32 $0xC1C0;
	[sflag:s25] =	ssyncadd.s32 $0xFFFFF060  }
0xa9: {  	[tilespmem:s26], [sflag:$0x1] =	stream.indirect.gather [spmem:s2], $0x1, s29, s15, $0xb8;
	[tilespmem:$0x1EEA0] =	vst v63  }
0xaa: {  	s24 =	simm.s32 $0x10240  }
0xab: {  	[tilespmem:s24], [sflag:$0x3] =	stream.indirect.gather [spmem:s3], $0x1, s29, s15, $0xb8;
	[tilespmem:$0x1EEA0] =	vst v63  }
0xac: {  	s25 =	simm.s32 $0xA1C0  }
0xad: {  	[tilespmem:s25], [sflag:$0x5] =	stream.indirect.gather [spmem:s2], $0x1, s30, s15, $0xb8;
	[tilespmem:$0x1EEA0] =	vst v63  }
0xae: {  	s28 =	simm.s32 $0x0;
	s26 =	simm.s32 $0xE1C0  }
0xaf: {  	[tilespmem:s26], [sflag:$0x7] =	stream.indirect.gather [spmem:s3], $0x1, s30, s15, $0xb8;
	[tilespmem:$0x1EEA0] =	vst v63  }
.LBB2_2:
0xb0: {  	_ =	swait.ge [sflag:s16], $0xFA0  }
0xb1: {  	[sflag:s16] =	ssyncset.done $0x0  }
0xb2: {  	[sflag:s16] =	ssyncadd.s32 $0xFFFFF060  }
0xb3: {  	_ =	swait.ge [sflag:s21], $0xFA0  }
0xb4: {  	[sflag:s21] =	ssyncset.done $0x0  }
0xb5: {  	[sflag:s21] =	ssyncadd.s32 $0xFFFFF060  }
0xb6: {  	_ =	swait.ge [sflag:s22], $0xFA0  }
0xb7: {  	[sflag:s22] =	ssyncset.done $0x0  }
0xb8: {  	[sflag:s22] =	ssyncadd.s32 $0xFFFFF060  }
0xb9: {  	_ =	swait.ge [sflag:s23], $0xFA0  }
0xba: {  	[sflag:s23] =	ssyncset.done $0x0  }
0xbb: {  	s26 =	simm.s32 $0x0;
	[sflag:s23] =	ssyncadd.s32 $0xFFFFF060  }
0xbc: {  	v7 =	vld [tilespmem:s26+$0xA1C0]  }
0xbd: {  	v10 =	vld [tilespmem:s26+$0xC1C0]  }
0xbe: {  	v9 =	vld [tilespmem:s26+$0xE1C0]  }
0xbf: {  	s25 =	simm.s32 $0x40;
	v8 =	vld [tilespmem:s26+$0x10240]  }
.LBB2_3:
0xc0: {  	p0 =	sne.s32 s25, $0x3E40;
	v11 =	vld [tilespmem:s26+$0x12240];
	s24 =	smov.u32 s25;
	s25 =	sadd.s32 $0x40, s25  }
0xc1: {  	v12 =	vld [tilespmem:s26+$0x61C0];
	v13 =	vmul.f32 v7, v7  }
0xc2: {  	v14 =	vmul.f32 v7, v10;
	v15 =	vmul.f32 v10, v10  }
0xc3: {  	v10 =	vmul.f32 v9, v10;
	v16 =	vmul.f32 v9, v9  }
0xc4: {  	v9 =	vmul.f32 v9, v8;
	v17 =	vmul.f32 v8, v8  }
0xc5: {  	s24 =	sshra.s32 s24, $0x2;
	v7 =	vmul.f32 v7, v8;
	v11 =	vmul.f32 v11, v3;
	v8 =	vadd.f32 v16, v13  }
0xc6: {  	v12 =	vmul.f32 v12, v4;
	v9 =	vadd.f32 v9, v14;
	v13 =	vadd.f32 v17, v15  }
0xc7: {  	v7 =	vsub.f32 v7, v10;
	v11 =	vadd.f32 v11, v5  }
0xc8: {  	v10 =	vadd.f32 v12, v6;
	v12 =	vsub.f32 v13, v9  }
0xc9: {  	v8 =	vsub.f32 v8, v9  }
0xca: {  	v9 =	vmul.f32 v10, v7;
	v13 =	vmul.f32 v12, v11  }
0xcb: {  	v12 =	vmul.f32 v10, v12;
	v10 =	vmul.f32 v10, v8  }
0xcc: {  	v8 =	vmul.f32 v8, v11;
	v13 =	vsub.f32 v13, v9  }
0xcd: {  	v7 =	vmul.f32 v11, v7;
	v11 =	vsub.f32 $0.0e+00, v12;
	v10 =	vsub.f32 $0.0e+00, v10  }
0xce: {  	v8 =	vadd.f32 v9, v8;
	v12 =	vld [tilespmem:s26+$0x81C0];
	[tilespmem:s26+$0x14240] =	vst v13  }
0xcf: {  	v11 =	vsub.f32 v11, v7;
	v7 =	vadd.f32 v10, v7;
	v9 =	vld [tilespmem:s26+$0x18540]  }
0xd0: {  	[tilespmem:s26+$0x16240] =	vst v8  }
0xd1: {  	[tilespmem:s26+$0x15240] =	vst v11  }
0xd2: {  	[tilespmem:s26+$0x17240] =	vst v7;
	s26 =	smov.u32 s24  }
0xd3: {  	v7 =	vld [tilespmem:$0x101C0]  }
0xd4: {  	vm1 =	veq.s32 v12, v1;
	vm0 =	veq.s32 v9, v2  }
0xd5: {  	vm0 =	vmand vm0, vm1  }
0xd6: {  	v8 =	vsel vm0, $0x1, v0;
	_ =	sdelay $0x1  }
0xd7: {  	v7 =	vor.u32 v8, v7  }
.Ltmp2:
0xd8: {  	[tilespmem:$0x101C0] =	vst v7;
	(pc) =	sbr.rel @p0 .LBB2_3-.Ltmp2, $4  }
0xd9: {  	v7 =	vld [tilespmem:s26+$0xA1C0]  }
0xda: {  	v10 =	vld [tilespmem:s26+$0xC1C0]  }
0xdb: {  	v9 =	vld [tilespmem:s26+$0xE1C0]  }
0xdc: {  	v8 =	vld [tilespmem:s26+$0x10240]  }
0xdd: {  	v12 =	vld [tilespmem:s26+$0x61C0]  }
0xde: {  	v11 =	vld [tilespmem:s26+$0x12240];
	v13 =	vmul.f32 v7, v7  }
0xdf: {  	v14 =	vmul.f32 v7, v10;
	v15 =	vmul.f32 v10, v10  }
0xe0: {  	v10 =	vmul.f32 v9, v10;
	v16 =	vmul.f32 v9, v9  }
0xe1: {  	v9 =	vmul.f32 v9, v8;
	v17 =	vmul.f32 v8, v8  }
0xe2: {  	v7 =	vmul.f32 v7, v8;
	v8 =	vadd.f32 v16, v13;
	v12 =	vmul.f32 v12, v4  }
0xe3: {  	v11 =	vmul.f32 v11, v3;
	v9 =	vadd.f32 v9, v14;
	v61 =	vadd.f32 v17, v15  }
0xe4: {  	v7 =	vsub.f32 v7, v10;
	v10 =	vadd.f32 v12, v6  }
0xe5: {  	v11 =	vadd.f32 v11, v5;
	v62 =	vsub.f32 v61, v9  }
0xe6: {  	v8 =	vsub.f32 v8, v9;
	v9 =	vmul.f32 v10, v7  }
0xe7: {  	v13 =	vmul.f32 v62, v11;
	v12 =	vmul.f32 v10, v62  }
0xe8: {  	v10 =	vmul.f32 v10, v8;
	v8 =	vmul.f32 v8, v11  }
0xe9: {  	v7 =	vmul.f32 v11, v7;
	v13 =	vsub.f32 v13, v9;
	v11 =	vsub.f32 $0.0e+00, v12  }
0xea: {  	v10 =	vsub.f32 $0.0e+00, v10;
	v8 =	vadd.f32 v9, v8  }
0xeb: {  	v63 =	vld [tilespmem:s26+$0x81C0];
	[tilespmem:s26+$0x14240] =	vst v13;
	v11 =	vsub.f32 v11, v7  }
0xec: {  	v9 =	vld [tilespmem:s26+$0x18540];
	v7 =	vadd.f32 v10, v7;
	[tilespmem:s26+$0x16240] =	vst v8  }
0xed: {  	[tilespmem:s26+$0x15240] =	vst v11  }
0xee: {  	[tilespmem:s26+$0x17240] =	vst v7  }
0xef: {  	v7 =	vld [tilespmem:$0x101C0];
	_ =	sdelay $0x1  }
0xf0: {  	vm1 =	veq.s32 v63, v1;
	vm0 =	veq.s32 v9, v2  }
0xf1: {  	vm0 =	vmand vm0, vm1  }
0xf2: {  	v8 =	vsel vm0, $0x1, v0  }
0xf3: {  	v7 =	vor.u32 v8, v7  }
0xf4: {  	[tilespmem:$0x101C0] =	vst v7  }
0xf5: {  	_ =	swait.ge [sflag:s17], $0xFA0  }
0xf6: {  	[sflag:s17] =	ssyncset.done $0x0  }
0xf7: {  	[sflag:s17] =	ssyncadd.s32 $0xFFFFF060  }
0xf8: {  	_ =	swait.ge [sflag:s17], $0xFA0  }
0xf9: {  	[sflag:s17] =	ssyncset.done $0x0  }
0xfa: {  	[sflag:s17] =	ssyncadd.s32 $0xFFFFF060  }
0xfb: {  	_ =	swait.ge [sflag:s17], $0xFA0  }
0xfc: {  	[sflag:s17] =	ssyncset.done $0x0  }
0xfd: {  	[sflag:s17] =	ssyncadd.s32 $0xFFFFF060  }
0xfe: {  	_ =	swait.ge [sflag:s17], $0xFA0  }
0xff: {  	[sflag:s17] =	ssyncset.done $0x0  }
0x100: {  	s7 =	simm.s32 $0xD1C0;
	[sflag:s17] =	ssyncadd.s32 $0xFFFFF060  }
0x101: {  	[tilespmem:s7], [sflag:$0x2] =	stream.indirect.gather [spmem:s2], $0x1, s31, s15, $0xb8;
	[tilespmem:$0x1EEA0] =	vst v63  }
0x102: {  	s26 =	simm.s32 $0x11240  }
0x103: {  	[tilespmem:s26], [sflag:$0x4] =	stream.indirect.gather [spmem:s3], $0x1, s31, s15, $0xb8;
	[tilespmem:$0x1EEA0] =	vst v63  }
0x104: {  	s24 =	simm.s32 $0xB1C0  }
0x105: {  	[tilespmem:s24], [sflag:$0x6] =	stream.indirect.gather [spmem:s2], $0x1, s1, s15, $0xb8;
	[tilespmem:$0x1EEA0] =	vst v63  }
0x106: {  	s25 =	simm.s32 $0xF1C0  }
0x107: {  	[tilespmem:s25], [sflag:$0x8] =	stream.indirect.gather [spmem:s3], $0x1, s1, s15, $0xb8;
	[tilespmem:$0x1EEA0] =	vst v63  }
0x108: {  	s26 =	rddreg [dreg:$0x3];
	s24 =	simm.s32 $0x14240  }
0x109: {  	[spmem:s26] =	stream.indirect.scatter.add.f32 [tilespmem:s24], [sflag:$0xB], $0x1, s29, s15, $0xb8;
	[tilespmem:$0x1EEA0] =	vst v63  }
0x10a: {  	s25 =	rddreg [dreg:$0x4];
	s26 =	simm.s32 $0x15240  }
0x10b: {  	[spmem:s25] =	stream.indirect.scatter.add.f32 [tilespmem:s26], [sflag:$0xC], $0x1, s29, s15, $0xb8;
	[tilespmem:$0x1EEA0] =	vst v63  }
0x10c: {  	s25 =	rddreg [dreg:$0x5]  }
0x10d: {  	[spmem:s25] =	stream.indirect.scatter.add.f32 [tilespmem:s13], [sflag:$0xD], $0x1, s30, s15, $0xb8;
	[tilespmem:$0x1EEA0] =	vst v63  }
0x10e: {  	s26 =	rddreg [dreg:$0x6]  }
0x10f: {  	[spmem:s26] =	stream.indirect.scatter.add.f32 [tilespmem:s18], [sflag:$0xE], $0x1, s30, s15, $0xb8;
	[tilespmem:$0x1EEA0] =	vst v63  }
0x110: {  	_ =	swait.ge [sflag:s19], $0xFA0  }
0x111: {  	[sflag:s19] =	ssyncset.done $0x0  }
0x112: {  	[sflag:s19] =	ssyncadd.s32 $0xFFFFF060  }
0x113: {  	_ =	swait.ge [sflag:s20], $0xFA0  }
0x114: {  	[sflag:s20] =	ssyncset.done $0x0  }
0x115: {  	[sflag:s20] =	ssyncadd.s32 $0xFFFFF060  }
0x116: {  	_ =	swait.ge [sflag:s14], $0xFA0  }
0x117: {  	[sflag:s14] =	ssyncset.done $0x0  }
0x118: {  	p0 =	seq.s32 s28, $0x18;
	[sflag:s14] =	ssyncadd.s32 $0xFFFFF060  }
0x119: {  	s24 =	smul.u32 @!p0 $0x1F40, s28;
	_ =	swait.ge [sflag:s0], $0xFA0  }
0x11a: {  	s7 =	rddreg [dreg:$0x14]  }
0x11b: {  	s24 =	sadd.s32 @!p0 s24, s7  }
0x11c: {  	s26 =	simm.s32 @!p0 $0x0;
	[sflag:s0] =	ssyncset.done $0x0;
	s24 =	sshrl.u32 @!p0 s24, $0x3  }
0x11d: {  	[sflag:s0] =	ssyncadd.s32 $0xFFFFF060;
	s7 =	simm.s32 @!p0 $0x18540;
	s25 =	sadd.s32 @!p0 s10, s24  }
0x11e: {  	[tilespmem:s7], [sflag:$0x9] =	stream.linear.gather @!p0 [hbm4b:s25+s26], $0xFA0, $0x38;
	[tilespmem:$0x1EEA0] =	vst v63  }
0x11f: {  	s7 =	rddreg [dreg:$0x0]  }
0x120: {  	s25 =	simm.s32 @!p0 $0x81C0;
	s7 =	sadd.s32 @!p0 s7, s24  }
0x121: {  	[tilespmem:s25], [sflag:$0x9] =	stream.linear.gather @!p0 [hbm4b:s7+s26], $0xFA0, $0x38;
	[tilespmem:$0x1EEA0] =	vst v63  }
0x122: {  	s7 =	sadd.s32 @!p0 s11, s24;
	s25 =	simm.s32 @!p0 $0x12240  }
0x123: {  	[tilespmem:s25], [sflag:$0x9] =	stream.linear.gather @!p0 [hbm4b:s7+s26], $0xFA0, $0x38;
	[tilespmem:$0x1EEA0] =	vst v63  }
0x124: {  	s7 =	sadd.s32 @!p0 s12, s24;
	s24 =	simm.s32 @!p0 $0x61C0  }
0x125: {  	[tilespmem:s24], [sflag:$0x9] =	stream.linear.gather @!p0 [hbm4b:s7+s26], $0xFA0, $0x38;
	[tilespmem:$0x1EEA0] =	vst v63  }
0x126: {  	_ =	swait.ge [sflag:s4], $0xFA0  }
0x127: {  	[sflag:s4] =	ssyncset.done $0x0  }
0x128: {  	[sflag:s4] =	ssyncadd.s32 $0xFFFFF060  }
0x129: {  	_ =	swait.ge [sflag:s5], $0xFA0  }
0x12a: {  	[sflag:s5] =	ssyncset.done $0x0  }
0x12b: {  	[sflag:s5] =	ssyncadd.s32 $0xFFFFF060  }
0x12c: {  	_ =	swait.ge [sflag:s6], $0xFA0  }
0x12d: {  	[sflag:s6] =	ssyncset.done $0x0  }
0x12e: {  	[sflag:s6] =	ssyncadd.s32 $0xFFFFF060  }
0x12f: {  	_ =	swait.ge [sflag:s8], $0xFA0  }
0x130: {  	[sflag:s8] =	ssyncset.done $0x0  }
0x131: {  	s26 =	simm.s32 $0x0;
	[sflag:s8] =	ssyncadd.s32 $0xFFFFF060  }
0x132: {  	v7 =	vld [tilespmem:s26+$0xB1C0]  }
0x133: {  	v10 =	vld [tilespmem:s26+$0xD1C0]  }
0x134: {  	v9 =	vld [tilespmem:s26+$0xF1C0]  }
0x135: {  	s25 =	simm.s32 $0x40;
	v8 =	vld [tilespmem:s26+$0x11240]  }
.LBB2_5:
0x136: {  	p1 =	sne.s32 s25, $0x3E40;
	v11 =	vld [tilespmem:s26+$0x13240];
	s7 =	smov.u32 s25;
	s25 =	sadd.s32 $0x40, s25  }
0x137: {  	v12 =	vld [tilespmem:s26+$0x71C0];
	v13 =	vmul.f32 v7, v7  }
0x138: {  	v14 =	vmul.f32 v7, v10;
	v15 =	vmul.f32 v10, v10  }
0x139: {  	v10 =	vmul.f32 v9, v10;
	v16 =	vmul.f32 v9, v9  }
0x13a: {  	v9 =	vmul.f32 v9, v8;
	v17 =	vmul.f32 v8, v8  }
0x13b: {  	s7 =	sshra.s32 s7, $0x2;
	v7 =	vmul.f32 v7, v8;
	v11 =	vmul.f32 v11, v3;
	v8 =	vadd.f32 v16, v13  }
0x13c: {  	v12 =	vmul.f32 v12, v4;
	v9 =	vadd.f32 v9, v14;
	v13 =	vadd.f32 v17, v15  }
0x13d: {  	v7 =	vsub.f32 v7, v10;
	v11 =	vadd.f32 v11, v5  }
0x13e: {  	v10 =	vadd.f32 v12, v6;
	v12 =	vsub.f32 v13, v9  }
0x13f: {  	v8 =	vsub.f32 v8, v9  }
0x140: {  	v9 =	vmul.f32 v10, v7;
	v13 =	vmul.f32 v12, v11  }
0x141: {  	v12 =	vmul.f32 v10, v12;
	v10 =	vmul.f32 v10, v8  }
0x142: {  	v8 =	vmul.f32 v8, v11;
	v13 =	vsub.f32 v13, v9  }
0x143: {  	v7 =	vmul.f32 v11, v7;
	v11 =	vsub.f32 $0.0e+00, v12;
	v10 =	vsub.f32 $0.0e+00, v10  }
0x144: {  	v8 =	vadd.f32 v9, v8;
	v12 =	vld [tilespmem:s26+$0x91C0];
	[tilespmem:s26+$0x14240] =	vst v13  }
0x145: {  	v11 =	vsub.f32 v11, v7;
	v7 =	vadd.f32 v10, v7;
	v9 =	vld [tilespmem:s26+$0x19540]  }
0x146: {  	[tilespmem:s26+$0x16240] =	vst v8  }
0x147: {  	[tilespmem:s26+$0x15240] =	vst v11  }
0x148: {  	[tilespmem:s26+$0x17240] =	vst v7;
	s26 =	smov.u32 s7  }
0x149: {  	v7 =	vld [tilespmem:$0x101C0]  }
0x14a: {  	vm1 =	veq.s32 v12, v1;
	vm0 =	veq.s32 v9, v2  }
0x14b: {  	vm0 =	vmand vm0, vm1  }
0x14c: {  	v8 =	vsel vm0, $0x1, v0;
	_ =	sdelay $0x1  }
0x14d: {  	v7 =	vor.u32 v8, v7  }
.Ltmp3:
0x14e: {  	[tilespmem:$0x101C0] =	vst v7;
	(pc) =	sbr.rel @p1 .LBB2_5-.Ltmp3, $4  }
0x14f: {  	v7 =	vld [tilespmem:s26+$0xB1C0]  }
0x150: {  	v10 =	vld [tilespmem:s26+$0xD1C0]  }
0x151: {  	v9 =	vld [tilespmem:s26+$0xF1C0]  }
0x152: {  	v8 =	vld [tilespmem:s26+$0x11240]  }
0x153: {  	v12 =	vld [tilespmem:s26+$0x71C0]  }
0x154: {  	v11 =	vld [tilespmem:s26+$0x13240];
	v13 =	vmul.f32 v7, v7  }
0x155: {  	v14 =	vmul.f32 v7, v10;
	v15 =	vmul.f32 v10, v10  }
0x156: {  	v55 =	vmul.f32 v9, v10;
	v16 =	vmul.f32 v9, v9  }
0x157: {  	v56 =	vmul.f32 v9, v8;
	v17 =	vmul.f32 v8, v8  }
0x158: {  	v7 =	vmul.f32 v7, v8;
	v8 =	vadd.f32 v16, v13;
	v12 =	vmul.f32 v12, v4  }
0x159: {  	v11 =	vmul.f32 v11, v3;
	v9 =	vadd.f32 v56, v14;
	v57 =	vadd.f32 v17, v15  }
0x15a: {  	v7 =	vsub.f32 v7, v55;
	v58 =	vadd.f32 v12, v6  }
0x15b: {  	v11 =	vadd.f32 v11, v5;
	v59 =	vsub.f32 v57, v9  }
0x15c: {  	v8 =	vsub.f32 v8, v9;
	v60 =	vmul.f32 v58, v7  }
0x15d: {  	v13 =	vmul.f32 v59, v11;
	v12 =	vmul.f32 v58, v59  }
0x15e: {  	v10 =	vmul.f32 v58, v8;
	v8 =	vmul.f32 v8, v11  }
0x15f: {  	v7 =	vmul.f32 v11, v7;
	v13 =	vsub.f32 v13, v60;
	v61 =	vsub.f32 $0.0e+00, v12  }
0x160: {  	v10 =	vsub.f32 $0.0e+00, v10;
	v8 =	vadd.f32 v60, v8  }
0x161: {  	v62 =	vld [tilespmem:s26+$0x91C0];
	[tilespmem:s26+$0x14240] =	vst v13;
	v11 =	vsub.f32 v61, v7  }
0x162: {  	v63 =	vld [tilespmem:s26+$0x19540];
	v7 =	vadd.f32 v10, v7;
	[tilespmem:s26+$0x16240] =	vst v8  }
0x163: {  	[tilespmem:s26+$0x15240] =	vst v11  }
0x164: {  	[tilespmem:s26+$0x17240] =	vst v7  }
0x165: {  	v7 =	vld [tilespmem:$0x101C0];
	_ =	sdelay $0x1  }
0x166: {  	vm0 =	veq.s32 v63, v2;
	vm1 =	veq.s32 v62, v1  }
0x167: {  	vm0 =	vmand vm0, vm1  }
0x168: {  	v8 =	vsel vm0, $0x1, v0  }
0x169: {  	v7 =	vor.u32 v8, v7  }
0x16a: {  	s7 =	simm.s32 @!p0 $0x9;
	[tilespmem:$0x101C0] =	vst v7  }
0x16b: {  	_ =	swait.ge @!p0 [sflag:s7], $0xFA0  }
0x16c: {  	[sflag:s7] =	ssyncset.done @!p0 $0x0  }
0x16d: {  	[sflag:s7] =	ssyncadd.s32 @!p0 $0xFFFFF060  }
0x16e: {  	_ =	swait.ge @!p0 [sflag:s7], $0xFA0  }
0x16f: {  	[sflag:s7] =	ssyncset.done @!p0 $0x0  }
0x170: {  	[sflag:s7] =	ssyncadd.s32 @!p0 $0xFFFFF060  }
0x171: {  	_ =	swait.ge @!p0 [sflag:s7], $0xFA0  }
0x172: {  	[sflag:s7] =	ssyncset.done @!p0 $0x0  }
0x173: {  	[sflag:s7] =	ssyncadd.s32 @!p0 $0xFFFFF060  }
0x174: {  	_ =	swait.ge @!p0 [sflag:s7], $0xFA0  }
0x175: {  	s24 =	simm.s32 @!p0 $0x18540;
	[sflag:s7] =	ssyncset.done @!p0 $0x0  }
0x176: {  	s25 =	simm.s32 @!p0 $0xC1C0;
	[sflag:s7] =	ssyncadd.s32 @!p0 $0xFFFFF060;
	s7 =	simm.s32 @!p0 $0xFA0  }
0x177: {  	[tilespmem:s25], [sflag:$0x1] =	stream.indirect.gather @!p0 [spmem:s2], $0x1, s24, s7, $0xb8;
	[tilespmem:$0x1EEA0] =	vst v63  }
0x178: {  	s25 =	simm.s32 @!p0 $0x10240  }
0x179: {  	[tilespmem:s25], [sflag:$0x3] =	stream.indirect.gather @!p0 [spmem:s3], $0x1, s24, s7, $0xb8;
	[tilespmem:$0x1EEA0] =	vst v63  }
0x17a: {  	s24 =	simm.s32 @!p0 $0x81C0;
	s25 =	simm.s32 @!p0 $0xA1C0  }
0x17b: {  	[tilespmem:s25], [sflag:$0x5] =	stream.indirect.gather @!p0 [spmem:s2], $0x1, s24, s7, $0xb8;
	[tilespmem:$0x1EEA0] =	vst v63  }
0x17c: {  	s25 =	simm.s32 @!p0 $0xE1C0  }
0x17d: {  	[tilespmem:s25], [sflag:$0x7] =	stream.indirect.gather @!p0 [spmem:s3], $0x1, s24, s7, $0xb8;
	[tilespmem:$0x1EEA0] =	vst v63  }
0x17e: {  	s26 =	simm.s32 $0x14240;
	s25 =	rddreg [dreg:$0x3]  }
0x17f: {  	[spmem:s25] =	stream.indirect.scatter.add.f32 [tilespmem:s26], [sflag:$0xB], $0x1, s31, s15, $0xb8;
	[tilespmem:$0x1EEA0] =	vst v63  }
0x180: {  	s25 =	rddreg [dreg:$0x4];
	s26 =	simm.s32 $0x15240  }
0x181: {  	[spmem:s25] =	stream.indirect.scatter.add.f32 [tilespmem:s26], [sflag:$0xC], $0x1, s31, s15, $0xb8;
	[tilespmem:$0x1EEA0] =	vst v63  }
0x182: {  	s25 =	rddreg [dreg:$0x5]  }
0x183: {  	[spmem:s25] =	stream.indirect.scatter.add.f32 [tilespmem:s13], [sflag:$0xD], $0x1, s1, s15, $0xb8;
	[tilespmem:$0x1EEA0] =	vst v63  }
0x184: {  	s26 =	rddreg [dreg:$0x6]  }
0x185: {  	[spmem:s26] =	stream.indirect.scatter.add.f32 [tilespmem:s18], [sflag:$0xE], $0x1, s1, s15, $0xb8;
	[tilespmem:$0x1EEA0] =	vst v63  }
0x186: {  	_ =	swait.ge [sflag:s19], $0xFA0  }
0x187: {  	[sflag:s19] =	ssyncset.done $0x0  }
0x188: {  	[sflag:s19] =	ssyncadd.s32 $0xFFFFF060  }
0x189: {  	_ =	swait.ge [sflag:s20], $0xFA0  }
0x18a: {  	[sflag:s20] =	ssyncset.done $0x0  }
0x18b: {  	[sflag:s20] =	ssyncadd.s32 $0xFFFFF060  }
0x18c: {  	_ =	swait.ge [sflag:s14], $0xFA0  }
.Ltmp4:
0x18d: {  	[sflag:s14] =	ssyncset.done $0x0;
	(pc) =	sbr.rel @p0 .LBB2_8-.Ltmp4, $4  }
0x18e: {  	[sflag:s14] =	ssyncadd.s32 $0xFFFFF060  }
0x18f: {  	_ =	swait.ge [sflag:s0], $0xFA0  }
0x190: {  	[sflag:s0] =	ssyncset.done $0x0  }
0x191: {  	[sflag:s0] =	ssyncadd.s32 $0xFFFFF060  }
0x192: {  	s7 =	smul.u32 $0x1F40, s28  }
0x193: {  	s24 =	rddreg [dreg:$0x15]  }
0x194: {  	s7 =	sadd.s32 s7, s24  }
0x195: {  	s7 =	sshrl.u32 s7, $0x3  }
0x196: {  	s25 =	rddreg [dreg:$0x0];
	s26 =	sadd.s32 s10, s7  }
0x197: {  	[tilespmem:s31], [sflag:$0xA] =	stream.linear.gather [hbm4b:s26+s9], $0xFA0, $0x38;
	[tilespmem:$0x1EEA0] =	vst v63  }
0x198: {  	s24 =	sadd.s32 s25, s7  }
0x199: {  	[tilespmem:s1], [sflag:$0xA] =	stream.linear.gather [hbm4b:s24+s9], $0xFA0, $0x38;
	[tilespmem:$0x1EEA0] =	vst v63  }
.Ltmp5:
0x19a: {  	_ = 	snop;
	(pc) =	sbr.rel .LBB2_2-.Ltmp5, $4  }
0x19b: {  	s25 =	simm.s32 $0x13240;
	s26 =	sadd.s32 s11, s7  }
0x19c: {  	[tilespmem:s25], [sflag:$0xA] =	stream.linear.gather [hbm4b:s26+s9], $0xFA0, $0x38;
	[tilespmem:$0x1EEA0] =	vst v63  }
0x19d: {  	s28 =	sadd.s32 $0x1, s28;
	s7 =	sadd.s32 s12, s7;
	s26 =	simm.s32 $0x71C0  }
0x19e: {  	[tilespmem:s26], [sflag:$0xA] =	stream.linear.gather [hbm4b:s7+s9], $0xFA0, $0x38;
	[tilespmem:$0x1EEA0] =	vst v63  }
.LBB2_9:
0x19f: {  	_ =	sfence.sel $0x180000  }
0x1a0: {  	[bflag:$0x0] =	sbarrier.arrive $0xFFFF  }
0x1a1: {  	_ =	strace $0x90000047  }
0x1a2: {  	s0 =	stileid.u32;
	[bflag:$0x2] =	sbarrier.arrive $0xFFFF  }
0x1a3: {  	p0 =	sne.s32 s0, $0x0;
	s0 =	rddreg [dreg:$0x7]  }
0x1a4: {  	s0 =	sadd.s32 @!p0 $0x100000, s0  }
0x1a5: {  	[sflag:s0] =	ssyncadd.tile.s32 @!p0 $0x1;
	_ =	shalt  }
.Lfunc_end2:
_tile_overlayer_lowered:
.L_overlay_start_2:
0x1a6: {  	(tag) =	ssettag $0x2  }
0x1a7: {  	s0 =	rddreg [dreg:$0x0];
	s2 =	stileid.u32  }
0x1a8: {  	s1 =	rddreg [dreg:$0x1];
	p0 =	sne.s32 s2, $0x0  }
0x1a9: {  	s3 =	rddreg [dreg:$0x2];
	[bflag:$0x3] =	sbarrier.arrive $0xFFFF;
	s2 =	simm.s32 @!p0 $0x1C0F  }
0x1aa: {  	[timem:s3], [sflag:s2] =	dma.local @!p0 [hbm:s0], s1  }
0x1ab: {  	s0 =	simm.s32 @!p0 $0xF  }
0x1ac: {  	_ =	swait.ge @!p0 [sflag:s0], s1  }
0x1ad: {  	s1 =	ssub.s32 @!p0 $0x0, s1;
	[sflag:s0] =	ssyncset.done @!p0 $0x0  }
0x1ae: {  	[sflag:s0] =	ssyncadd.s32 @!p0 s1  }
0x1af: {  	[bflag:$0x3] =	sbarrier.arrive $0xFFFF  }
0x1b0: {  	_ =	shalt  }

</sc_bundles>
